<compile_context>
chip_gen: v7x
topology: tpu7x:2x2x1
jax: 0.10.2.dev20260603
libtpu: 0.0.44.dev20260713+nightly
codegen_flags: <defaults>
</compile_context>

<pallas_src>
import functools

import jax
import jax.numpy as jnp
from jax import lax
from jax.experimental import pallas as pl
from jax.experimental.pallas import tpu as pltpu
from jax.experimental.pallas import tpu_sc as plsc

_NC, _NS = 2, 16
_NW = _NC * _NS
_RP = 2
_PSTRIDE = 104


def _prep(inputs, table):
    batch, hist = inputs.shape
    vocab, dim = table.shape

    table_pad = jnp.pad(table, ((0, 0), (0, 128 - dim)))

    idx = jnp.pad(inputs.astype(jnp.int32), ((0, 0), (0, 128 - hist)))

    return table_pad, idx


def kernel(inputs, embedding_encoder):
    batch, hist = inputs.shape
    num_indices = batch * hist
    _, dim = embedding_encoder.shape
    table_pad, idx = _prep(inputs, embedding_encoder)
    rows_per_w = batch // _NW
    n_win = rows_per_w // _RP
    win = _RP * hist

    mesh = plsc.VectorSubcoreMesh(core_axis_name="c", subcore_axis_name="s")

    @functools.partial(
        pl.kernel,
        mesh=mesh,
        out_type=jax.ShapeDtypeStruct((batch, hist, dim), embedding_encoder.dtype),
        scratch_types=[
            pltpu.VMEM((_RP, 128), jnp.int32),
            pltpu.VMEM((_RP, 128), jnp.int32),
            pltpu.VMEM((win, 128), jnp.float32),
            pltpu.VMEM((win, 128), jnp.float32),
            pltpu.VMEM((_RP, hist, dim), jnp.float32),
            pltpu.VMEM((_RP, hist, dim), jnp.float32),
            pltpu.SemaphoreType.DMA,
            pltpu.SemaphoreType.DMA,
            pltpu.SemaphoreType.DMA,
            pltpu.SemaphoreType.DMA,
            pltpu.SemaphoreType.DMA,
            pltpu.SemaphoreType.DMA,
        ],
    )
    def gather_kernel(table_hbm, idx_hbm, out_hbm,
                      idx_v0, idx_v1, rows_v0, rows_v1, o_v0, o_v1,
                      isem0, isem1, gsem0, gsem1, osem0, osem1):
        idx_v = (idx_v0, idx_v1)
        rows_v = (rows_v0, rows_v1)
        o_v = (o_v0, o_v1)
        isem = (isem0, isem1)
        gsem = (gsem0, gsem1)
        osem = (osem0, osem1)

        wid = lax.axis_index("s") * _NC + lax.axis_index("c")
        base_row = wid * rows_per_w

        def idx_copies(p, s):
            row = base_row + p * _RP
            return [
                pltpu.make_async_copy(
                    idx_hbm.at[pl.ds(row + r, 1), :],
                    idx_v[s].at[pl.ds(r, 1), :],
                    isem[s],
                )
                for r in range(_RP)
            ]

        def gather_copies(s):
            return [
                pltpu.make_async_copy(
                    table_hbm.at[idx_v[s].at[r, pl.ds(0, hist)]],
                    rows_v[s].at[pl.ds(r * hist, hist)],
                    gsem[s],
                )
                for r in range(_RP)
            ]

        def out_copy(p, s):
            return pltpu.make_async_copy(
                o_v[s], out_hbm.at[pl.ds(base_row + p * _RP, _RP)], osem[s]
            )

        def compact(s):
            for r0 in range(_RP):
                @pl.loop(0, hist)
                def _(r):
                    for c in range(0, dim, 16):
                        o_v[s].at[r0, r, pl.ds(c, 16)][...] = \
                            rows_v[s].at[r0 * hist + r, pl.ds(c, 16)][...]

        for cp in idx_copies(0, 0):
            cp.start()
        for cp in idx_copies(0, 0):
            cp.wait()
        for cp in gather_copies(0):
            cp.start()
        for cp in idx_copies(1, 1):
            cp.start()

        @pl.loop(0, n_win, step=2)
        def _(pp):
            for ping in (0, 1):
                p = pp + ping
                s, o = ping, 1 - ping
                for cp in gather_copies(s):
                    cp.wait()

                @pl.when(p + 2 < n_win)
                def _():
                    for cp in idx_copies(p + 2, s):
                        cp.start()

                @pl.when(p + 1 < n_win)
                def _():
                    for cp in idx_copies(p + 1, o):
                        cp.wait()
                    for cp in gather_copies(o):
                        cp.start()

                @pl.when(p >= 2)
                def _():
                    out_copy(p - 2, s).wait()

                compact(s)
                out_copy(p, s).start()

        out_copy(n_win - 2, 0).wait()
        out_copy(n_win - 1, 1).wait()

    return gather_kernel(table_pad, idx)

# --- scband reference (transcript-rebuilt; emitter-appended) ---
"""Pipeline reference for scband-embedding-50766513438966 (READ-ONLY COPY).

The authoritative reference and input builder live on the scoring server;
editing this copy changes nothing except your own understanding.
"""

import jax, jax.numpy as jnp
import numpy as np

VOCAB = 1000000
EMBED_DIM = 64
BATCH = 16384
HIST = 50
DROPOUT = 0.0

def setup_inputs(seed: int = 0) -> dict:
    key = jax.random.key(seed)
    k_idx, k_emb = jax.random.split(key)
    inputs = jax.random.randint(k_idx, (BATCH, HIST), 0, VOCAB, dtype=jnp.int64 if jax.config.jax_enable_x64 else jnp.int32)
    # GlorotUniform init for the embedding table, as in tf.initializers.GlorotUniform
    fan_in, fan_out = VOCAB, EMBED_DIM
    limit = float(np.sqrt(6.0 / (fan_in + fan_out)))
    embedding_encoder = jax.random.uniform(k_emb, (VOCAB, EMBED_DIM), dtype=jnp.float32, minval=-limit, maxval=limit)
    return {"inputs": inputs, "embedding_encoder": embedding_encoder}

def reference(inputs, embedding_encoder):
    # tf.nn.embedding_lookup -> gather rows of the table
    word_tensor = jnp.take(embedding_encoder, inputs, axis=0)
    # tf.nn.dropout with rate=DROPOUT; rate=0.0 is identity (deterministic)
    if DROPOUT > 0.0:
        word_tensor = word_tensor / (1.0 - DROPOUT)
    return word_tensor

if __name__ == "__main__":
    import jax
    _d = setup_inputs()
    print(jax.jit(kernel)(*tuple(_d.values())))

</pallas_src>

<mosaic_0001>
#map = affine_map<(d0, d1) -> (0, 0)>
#map1 = affine_map<(d0, d1) -> (0, 0, 0)>
module attributes {stable_mosaic.version = 14 : i64} {
  func.func @gather_kernel(%arg0: i32, %arg1: i32, %arg2: memref<1000000x128xf32, #tpu.memory_space<hbm>>, %arg3: memref<16384x128xi32, #tpu.memory_space<hbm>>, %arg4: memref<16384x50x64xf32, #tpu.memory_space<hbm>>, %arg5: memref<2x128xi32, #tpu.memory_space<vmem>>, %arg6: memref<2x128xi32, #tpu.memory_space<vmem>>, %arg7: memref<100x128xf32, #tpu.memory_space<vmem>>, %arg8: memref<100x128xf32, #tpu.memory_space<vmem>>, %arg9: memref<2x50x64xf32, #tpu.memory_space<vmem>>, %arg10: memref<2x50x64xf32, #tpu.memory_space<vmem>>, %arg11: memref<!tpu.dma_semaphore, #tpu.memory_space<semaphore_mem>>, %arg12: memref<!tpu.dma_semaphore, #tpu.memory_space<semaphore_mem>>, %arg13: memref<!tpu.dma_semaphore, #tpu.memory_space<semaphore_mem>>, %arg14: memref<!tpu.dma_semaphore, #tpu.memory_space<semaphore_mem>>, %arg15: memref<!tpu.dma_semaphore, #tpu.memory_space<semaphore_mem>>, %arg16: memref<!tpu.dma_semaphore, #tpu.memory_space<semaphore_mem>>) attributes {dimension_semantics = [#tpu.dimension_semantics<core_parallel>, #tpu.dimension_semantics<subcore_parallel>], iteration_bounds = array<i64: 2, 16>, scalar_prefetch = 0 : i64, scratch_operands = 12 : i64, tpu.core_type = #tpu.core_type<sc_vector_subcore>, window_params = [{transform_indices = #map}, {transform_indices = #map}, {transform_indices = #map1}]} {
    %mul3A = arith.constant 2 : i32
    %mul3A_0 = arith.muli %arg1, %mul3A : i32
    %add3A = arith.addi %mul3A_0, %arg0 : i32
    %mul3A_1 = arith.constant 512 : i32
    %mul3A_2 = arith.muli %add3A, %mul3A_1 : i32
    %add3A_3 = arith.constant 0 : i32
    %add3A_4 = arith.addi %mul3A_2, %add3A_3 : i32
    %add3A_5 = arith.constant 0 : i32
    %add3A_6 = arith.addi %add3A_4, %add3A_5 : i32
    %add3A_7 = arith.constant 1 : i32
    %add3A_8 = arith.addi %add3A_4, %add3A_7 : i32
    %dma_start3A = arith.constant 0 : i32
    %dma_start3A_9 = arith.constant 0 : i32
    %dma_start3A_10 = tpu.memref_slice %arg5[%dma_start3A, %dma_start3A_9] : memref<2x128xi32, #tpu.memory_space<vmem>> -> memref<1x128xi32, #tpu.memory_space<vmem>>
    %dma_start3A_11 = arith.constant 0 : i32
    %dma_start3A_12 = tpu.memref_slice %arg3[%add3A_6, %dma_start3A_11] : memref<16384x128xi32, #tpu.memory_space<hbm>> -> memref<1x128xi32, #tpu.memory_space<hbm>>
    %dma_start3A_13 = arith.constant 0 : i32
    %dma_start3A_14 = arith.constant 0 : i32
    %dma_start3A_15 = tpu.memref_slice %arg5[%dma_start3A_13, %dma_start3A_14] : memref<2x128xi32, #tpu.memory_space<vmem>> -> memref<1x128xi32, #tpu.memory_space<vmem>>
    %dma_start3A_16 = arith.constant 0 : i32
    %dma_start3A_17 = tpu.memref_slice %arg3[%add3A_6, %dma_start3A_16] : memref<16384x128xi32, #tpu.memory_space<hbm>> -> memref<1x128xi32, #tpu.memory_space<hbm>>
    tpu.enqueue_dma source(%dma_start3A_17 : memref<1x128xi32, #tpu.memory_space<hbm>>) target(%dma_start3A_15 : memref<1x128xi32, #tpu.memory_space<vmem>>) target_semaphore(%arg11 : memref<!tpu.dma_semaphore, #tpu.memory_space<semaphore_mem>>)
    %dma_start3A_18 = arith.constant 1 : i32
    %dma_start3A_19 = arith.constant 0 : i32
    %dma_start3A_20 = tpu.memref_slice %arg5[%dma_start3A_18, %dma_start3A_19] : memref<2x128xi32, #tpu.memory_space<vmem>> -> memref<1x128xi32, #tpu.memory_space<vmem>>
    %dma_start3A_21 = arith.constant 0 : i32
    %dma_start3A_22 = tpu.memref_slice %arg3[%add3A_8, %dma_start3A_21] : memref<16384x128xi32, #tpu.memory_space<hbm>> -> memref<1x128xi32, #tpu.memory_space<hbm>>
    %dma_start3A_23 = arith.constant 1 : i32
    %dma_start3A_24 = arith.constant 0 : i32
    %dma_start3A_25 = tpu.memref_slice %arg5[%dma_start3A_23, %dma_start3A_24] : memref<2x128xi32, #tpu.memory_space<vmem>> -> memref<1x128xi32, #tpu.memory_space<vmem>>
    %dma_start3A_26 = arith.constant 0 : i32
    %dma_start3A_27 = tpu.memref_slice %arg3[%add3A_8, %dma_start3A_26] : memref<16384x128xi32, #tpu.memory_space<hbm>> -> memref<1x128xi32, #tpu.memory_space<hbm>>
    tpu.enqueue_dma source(%dma_start3A_27 : memref<1x128xi32, #tpu.memory_space<hbm>>) target(%dma_start3A_25 : memref<1x128xi32, #tpu.memory_space<vmem>>) target_semaphore(%arg11 : memref<!tpu.dma_semaphore, #tpu.memory_space<semaphore_mem>>)
    %add3A_28 = arith.constant 0 : i32
    %add3A_29 = arith.addi %mul3A_2, %add3A_28 : i32
    %add3A_30 = arith.constant 0 : i32
    %add3A_31 = arith.addi %add3A_29, %add3A_30 : i32
    %add3A_32 = arith.constant 1 : i32
    %add3A_33 = arith.addi %add3A_29, %add3A_32 : i32
    %dma_wait3A = arith.constant 0 : i32
    %dma_wait3A_34 = arith.constant 0 : i32
    %dma_wait3A_35 = tpu.memref_slice %arg5[%dma_wait3A, %dma_wait3A_34] : memref<2x128xi32, #tpu.memory_space<vmem>> -> memref<1x128xi32, #tpu.memory_space<vmem>>
    %dma_wait3A_36 = arith.constant 0 : i32
    %dma_wait3A_37 = tpu.memref_slice %arg3[%add3A_31, %dma_wait3A_36] : memref<16384x128xi32, #tpu.memory_space<hbm>> -> memref<1x128xi32, #tpu.memory_space<hbm>>
    %dma_wait3A_38 = arith.constant 0 : i32
    %dma_wait3A_39 = arith.constant 0 : i32
    %dma_wait3A_40 = tpu.memref_slice %arg5[%dma_wait3A_38, %dma_wait3A_39] : memref<2x128xi32, #tpu.memory_space<vmem>> -> memref<1x128xi32, #tpu.memory_space<vmem>>
    %dma_wait3A_41 = arith.constant 0 : i32
    %dma_wait3A_42 = tpu.memref_slice %arg3[%add3A_31, %dma_wait3A_41] : memref<16384x128xi32, #tpu.memory_space<hbm>> -> memref<1x128xi32, #tpu.memory_space<hbm>>
    tpu.wait_dma2 semaphore(%arg11 : memref<!tpu.dma_semaphore, #tpu.memory_space<semaphore_mem>>) src(%dma_wait3A_42 : memref<1x128xi32, #tpu.memory_space<hbm>>) dst(%dma_wait3A_40 : memref<1x128xi32, #tpu.memory_space<vmem>>)
    %dma_wait3A_43 = arith.constant 1 : i32
    %dma_wait3A_44 = arith.constant 0 : i32
    %dma_wait3A_45 = tpu.memref_slice %arg5[%dma_wait3A_43, %dma_wait3A_44] : memref<2x128xi32, #tpu.memory_space<vmem>> -> memref<1x128xi32, #tpu.memory_space<vmem>>
    %dma_wait3A_46 = arith.constant 0 : i32
    %dma_wait3A_47 = tpu.memref_slice %arg3[%add3A_33, %dma_wait3A_46] : memref<16384x128xi32, #tpu.memory_space<hbm>> -> memref<1x128xi32, #tpu.memory_space<hbm>>
    %dma_wait3A_48 = arith.constant 1 : i32
    %dma_wait3A_49 = arith.constant 0 : i32
    %dma_wait3A_50 = tpu.memref_slice %arg5[%dma_wait3A_48, %dma_wait3A_49] : memref<2x128xi32, #tpu.memory_space<vmem>> -> memref<1x128xi32, #tpu.memory_space<vmem>>
    %dma_wait3A_51 = arith.constant 0 : i32
    %dma_wait3A_52 = tpu.memref_slice %arg3[%add3A_33, %dma_wait3A_51] : memref<16384x128xi32, #tpu.memory_space<hbm>> -> memref<1x128xi32, #tpu.memory_space<hbm>>
    tpu.wait_dma2 semaphore(%arg11 : memref<!tpu.dma_semaphore, #tpu.memory_space<semaphore_mem>>) src(%dma_wait3A_52 : memref<1x128xi32, #tpu.memory_space<hbm>>) dst(%dma_wait3A_50 : memref<1x128xi32, #tpu.memory_space<vmem>>)
    %dma_start3A_53 = arith.constant 0 : i32
    %dma_start3A_54 = arith.constant 0 : i32
    %dma_start3A_55 = arith.constant 0 : i32
    %dma_start3A_56 = tpu.memref_slice %arg7[%dma_start3A_54, %dma_start3A_55] : memref<100x128xf32, #tpu.memory_space<vmem>> -> memref<50x128xf32, #tpu.memory_space<vmem>>
    %dma_start3A_57 = arith.constant 0 : i32
    %dma_start3A_58 = tpu.memref_slice %arg5[%dma_start3A_53, %dma_start3A_57] : memref<2x128xi32, #tpu.memory_space<vmem>> -> memref<1x50xi32, #tpu.memory_space<vmem>>
    %dma_start3A_59 = tpu.memref_squeeze %dma_start3A_58 : memref<1x50xi32, #tpu.memory_space<vmem>> -> memref<50xi32, #tpu.memory_space<vmem>>
    %dma_start3A_60 = arith.constant 0 : i32
    %dma_start3A_61 = arith.constant 0 : i32
    %dma_start3A_62 = tpu.memref_slice %arg2[%dma_start3A_60, %dma_start3A_61] : memref<1000000x128xf32, #tpu.memory_space<hbm>> -> memref<1000000x128xf32, #tpu.memory_space<hbm>>
    tpu.enqueue_indirect_dma source(%dma_start3A_62 : memref<1000000x128xf32, #tpu.memory_space<hbm>>) target(%dma_start3A_56 : memref<50x128xf32, #tpu.memory_space<vmem>>) offsets(%dma_start3A_59 : memref<50xi32, #tpu.memory_space<vmem>>) semaphore(%arg13 : memref<!tpu.dma_semaphore, #tpu.memory_space<semaphore_mem>>)
    %dma_start3A_63 = arith.constant 1 : i32
    %dma_start3A_64 = arith.constant 50 : i32
    %dma_start3A_65 = arith.constant 0 : i32
    %dma_start3A_66 = tpu.memref_slice %arg7[%dma_start3A_64, %dma_start3A_65] : memref<100x128xf32, #tpu.memory_space<vmem>> -> memref<50x128xf32, #tpu.memory_space<vmem>>
    %dma_start3A_67 = arith.constant 0 : i32
    %dma_start3A_68 = tpu.memref_slice %arg5[%dma_start3A_63, %dma_start3A_67] : memref<2x128xi32, #tpu.memory_space<vmem>> -> memref<1x50xi32, #tpu.memory_space<vmem>>
    %dma_start3A_69 = tpu.memref_squeeze %dma_start3A_68 : memref<1x50xi32, #tpu.memory_space<vmem>> -> memref<50xi32, #tpu.memory_space<vmem>>
    %dma_start3A_70 = arith.constant 0 : i32
    %dma_start3A_71 = arith.constant 0 : i32
    %dma_start3A_72 = tpu.memref_slice %arg2[%dma_start3A_70, %dma_start3A_71] : memref<1000000x128xf32, #tpu.memory_space<hbm>> -> memref<1000000x128xf32, #tpu.memory_space<hbm>>
    tpu.enqueue_indirect_dma source(%dma_start3A_72 : memref<1000000x128xf32, #tpu.memory_space<hbm>>) target(%dma_start3A_66 : memref<50x128xf32, #tpu.memory_space<vmem>>) offsets(%dma_start3A_69 : memref<50xi32, #tpu.memory_space<vmem>>) semaphore(%arg13 : memref<!tpu.dma_semaphore, #tpu.memory_space<semaphore_mem>>)
    %add3A_73 = arith.constant 2 : i32
    %add3A_74 = arith.addi %mul3A_2, %add3A_73 : i32
    %add3A_75 = arith.constant 0 : i32
    %add3A_76 = arith.addi %add3A_74, %add3A_75 : i32
    %add3A_77 = arith.constant 1 : i32
    %add3A_78 = arith.addi %add3A_74, %add3A_77 : i32
    %dma_start3A_79 = arith.constant 0 : i32
    %dma_start3A_80 = arith.constant 0 : i32
    %dma_start3A_81 = tpu.memref_slice %arg6[%dma_start3A_79, %dma_start3A_80] : memref<2x128xi32, #tpu.memory_space<vmem>> -> memref<1x128xi32, #tpu.memory_space<vmem>>
    %dma_start3A_82 = arith.constant 0 : i32
    %dma_start3A_83 = tpu.memref_slice %arg3[%add3A_76, %dma_start3A_82] : memref<16384x128xi32, #tpu.memory_space<hbm>> -> memref<1x128xi32, #tpu.memory_space<hbm>>
    %dma_start3A_84 = arith.constant 0 : i32
    %dma_start3A_85 = arith.constant 0 : i32
    %dma_start3A_86 = tpu.memref_slice %arg6[%dma_start3A_84, %dma_start3A_85] : memref<2x128xi32, #tpu.memory_space<vmem>> -> memref<1x128xi32, #tpu.memory_space<vmem>>
    %dma_start3A_87 = arith.constant 0 : i32
    %dma_start3A_88 = tpu.memref_slice %arg3[%add3A_76, %dma_start3A_87] : memref<16384x128xi32, #tpu.memory_space<hbm>> -> memref<1x128xi32, #tpu.memory_space<hbm>>
    tpu.enqueue_dma source(%dma_start3A_88 : memref<1x128xi32, #tpu.memory_space<hbm>>) target(%dma_start3A_86 : memref<1x128xi32, #tpu.memory_space<vmem>>) target_semaphore(%arg12 : memref<!tpu.dma_semaphore, #tpu.memory_space<semaphore_mem>>)
    %dma_start3A_89 = arith.constant 1 : i32
    %dma_start3A_90 = arith.constant 0 : i32
    %dma_start3A_91 = tpu.memref_slice %arg6[%dma_start3A_89, %dma_start3A_90] : memref<2x128xi32, #tpu.memory_space<vmem>> -> memref<1x128xi32, #tpu.memory_space<vmem>>
    %dma_start3A_92 = arith.constant 0 : i32
    %dma_start3A_93 = tpu.memref_slice %arg3[%add3A_78, %dma_start3A_92] : memref<16384x128xi32, #tpu.memory_space<hbm>> -> memref<1x128xi32, #tpu.memory_space<hbm>>
    %dma_start3A_94 = arith.constant 1 : i32
    %dma_start3A_95 = arith.constant 0 : i32
    %dma_start3A_96 = tpu.memref_slice %arg6[%dma_start3A_94, %dma_start3A_95] : memref<2x128xi32, #tpu.memory_space<vmem>> -> memref<1x128xi32, #tpu.memory_space<vmem>>
    %dma_start3A_97 = arith.constant 0 : i32
    %dma_start3A_98 = tpu.memref_slice %arg3[%add3A_78, %dma_start3A_97] : memref<16384x128xi32, #tpu.memory_space<hbm>> -> memref<1x128xi32, #tpu.memory_space<hbm>>
    tpu.enqueue_dma source(%dma_start3A_98 : memref<1x128xi32, #tpu.memory_space<hbm>>) target(%dma_start3A_96 : memref<1x128xi32, #tpu.memory_space<vmem>>) target_semaphore(%arg12 : memref<!tpu.dma_semaphore, #tpu.memory_space<semaphore_mem>>)
    %scan3A = arith.constant 0 : i32
    %scan3A_99 = arith.constant 128 : i32
    %scan3A_100 = arith.addi %scan3A, %scan3A_99 : i32
    %scan3A_101 = arith.constant 1 : i32
    scf.for %scan3A_119 = %scan3A to %scan3A_100 step %scan3A_101  : i32 {
      %mul3A_120 = arith.constant 2 : i32
      %mul3A_121 = arith.muli %scan3A_119, %mul3A_120 : i32
      %add3A_122 = arith.constant 0 : i32
      %add3A_123 = arith.addi %add3A_122, %mul3A_121 : i32
      %add3A_124 = arith.constant 0 : i32
      %add3A_125 = arith.addi %add3A_123, %add3A_124 : i32
      %dma_wait3A_126 = arith.constant 0 : i32
      %dma_wait3A_127 = arith.constant 0 : i32
      %dma_wait3A_128 = arith.constant 0 : i32
      %dma_wait3A_129 = tpu.memref_slice %arg7[%dma_wait3A_127, %dma_wait3A_128] : memref<100x128xf32, #tpu.memory_space<vmem>> -> memref<50x128xf32, #tpu.memory_space<vmem>>
      %dma_wait3A_130 = arith.constant 0 : i32
      %dma_wait3A_131 = tpu.memref_slice %arg5[%dma_wait3A_126, %dma_wait3A_130] : memref<2x128xi32, #tpu.memory_space<vmem>> -> memref<1x50xi32, #tpu.memory_space<vmem>>
      %dma_wait3A_132 = tpu.memref_squeeze %dma_wait3A_131 : memref<1x50xi32, #tpu.memory_space<vmem>> -> memref<50xi32, #tpu.memory_space<vmem>>
      %dma_wait3A_133 = arith.constant 0 : i32
      %dma_wait3A_134 = arith.constant 0 : i32
      %dma_wait3A_135 = tpu.memref_slice %arg2[%dma_wait3A_133, %dma_wait3A_134] : memref<1000000x128xf32, #tpu.memory_space<hbm>> -> memref<1000000x128xf32, #tpu.memory_space<hbm>>
      tpu.wait_indirect_dma semaphore(%arg13 : memref<!tpu.dma_semaphore, #tpu.memory_space<semaphore_mem>>) src(%dma_wait3A_135 : memref<1000000x128xf32, #tpu.memory_space<hbm>>) dst(%dma_wait3A_129 : memref<50x128xf32, #tpu.memory_space<vmem>>)
      %dma_wait3A_136 = arith.constant 1 : i32
      %dma_wait3A_137 = arith.constant 50 : i32
      %dma_wait3A_138 = arith.constant 0 : i32
      %dma_wait3A_139 = tpu.memref_slice %arg7[%dma_wait3A_137, %dma_wait3A_138] : memref<100x128xf32, #tpu.memory_space<vmem>> -> memref<50x128xf32, #tpu.memory_space<vmem>>
      %dma_wait3A_140 = arith.constant 0 : i32
      %dma_wait3A_141 = tpu.memref_slice %arg5[%dma_wait3A_136, %dma_wait3A_140] : memref<2x128xi32, #tpu.memory_space<vmem>> -> memref<1x50xi32, #tpu.memory_space<vmem>>
      %dma_wait3A_142 = tpu.memref_squeeze %dma_wait3A_141 : memref<1x50xi32, #tpu.memory_space<vmem>> -> memref<50xi32, #tpu.memory_space<vmem>>
      %dma_wait3A_143 = arith.constant 0 : i32
      %dma_wait3A_144 = arith.constant 0 : i32
      %dma_wait3A_145 = tpu.memref_slice %arg2[%dma_wait3A_143, %dma_wait3A_144] : memref<1000000x128xf32, #tpu.memory_space<hbm>> -> memref<1000000x128xf32, #tpu.memory_space<hbm>>
      tpu.wait_indirect_dma semaphore(%arg13 : memref<!tpu.dma_semaphore, #tpu.memory_space<semaphore_mem>>) src(%dma_wait3A_145 : memref<1000000x128xf32, #tpu.memory_space<hbm>>) dst(%dma_wait3A_139 : memref<50x128xf32, #tpu.memory_space<vmem>>)
      %add3A_146 = arith.constant 2 : i32
      %add3A_147 = arith.addi %add3A_125, %add3A_146 : i32
      %lt3A = arith.constant 256 : i32
      %lt3A_148 = arith.cmpi slt, %add3A_147, %lt3A : i32
      %convert_element_type3A = arith.extui %lt3A_148 : i1 to i32
      %cond3A = arith.constant 0 : i32
      %cond3A_149 = arith.cmpi ne, %convert_element_type3A, %cond3A : i32
      scf.if %cond3A_149 {
        %add3A_240 = arith.constant 2 : i32
        %add3A_241 = arith.addi %add3A_125, %add3A_240 : i32
        %mul3A_242 = arith.constant 2 : i32
        %mul3A_243 = arith.muli %add3A_241, %mul3A_242 : i32
        %add3A_244 = arith.addi %mul3A_2, %mul3A_243 : i32
        %add3A_245 = arith.constant 0 : i32
        %add3A_246 = arith.addi %add3A_244, %add3A_245 : i32
        %add3A_247 = arith.constant 1 : i32
        %add3A_248 = arith.addi %add3A_244, %add3A_247 : i32
        %dma_start3A_249 = arith.constant 0 : i32
        %dma_start3A_250 = arith.constant 0 : i32
        %dma_start3A_251 = tpu.memref_slice %arg5[%dma_start3A_249, %dma_start3A_250] : memref<2x128xi32, #tpu.memory_space<vmem>> -> memref<1x128xi32, #tpu.memory_space<vmem>>
        %dma_start3A_252 = arith.constant 0 : i32
        %dma_start3A_253 = tpu.memref_slice %arg3[%add3A_246, %dma_start3A_252] : memref<16384x128xi32, #tpu.memory_space<hbm>> -> memref<1x128xi32, #tpu.memory_space<hbm>>
        %dma_start3A_254 = arith.constant 0 : i32
        %dma_start3A_255 = arith.constant 0 : i32
        %dma_start3A_256 = tpu.memref_slice %arg5[%dma_start3A_254, %dma_start3A_255] : memref<2x128xi32, #tpu.memory_space<vmem>> -> memref<1x128xi32, #tpu.memory_space<vmem>>
        %dma_start3A_257 = arith.constant 0 : i32
        %dma_start3A_258 = tpu.memref_slice %arg3[%add3A_246, %dma_start3A_257] : memref<16384x128xi32, #tpu.memory_space<hbm>> -> memref<1x128xi32, #tpu.memory_space<hbm>>
        tpu.enqueue_dma source(%dma_start3A_258 : memref<1x128xi32, #tpu.memory_space<hbm>>) target(%dma_start3A_256 : memref<1x128xi32, #tpu.memory_space<vmem>>) target_semaphore(%arg11 : memref<!tpu.dma_semaphore, #tpu.memory_space<semaphore_mem>>)
        %dma_start3A_259 = arith.constant 1 : i32
        %dma_start3A_260 = arith.constant 0 : i32
        %dma_start3A_261 = tpu.memref_slice %arg5[%dma_start3A_259, %dma_start3A_260] : memref<2x128xi32, #tpu.memory_space<vmem>> -> memref<1x128xi32, #tpu.memory_space<vmem>>
        %dma_start3A_262 = arith.constant 0 : i32
        %dma_start3A_263 = tpu.memref_slice %arg3[%add3A_248, %dma_start3A_262] : memref<16384x128xi32, #tpu.memory_space<hbm>> -> memref<1x128xi32, #tpu.memory_space<hbm>>
        %dma_start3A_264 = arith.constant 1 : i32
        %dma_start3A_265 = arith.constant 0 : i32
        %dma_start3A_266 = tpu.memref_slice %arg5[%dma_start3A_264, %dma_start3A_265] : memref<2x128xi32, #tpu.memory_space<vmem>> -> memref<1x128xi32, #tpu.memory_space<vmem>>
        %dma_start3A_267 = arith.constant 0 : i32
        %dma_start3A_268 = tpu.memref_slice %arg3[%add3A_248, %dma_start3A_267] : memref<16384x128xi32, #tpu.memory_space<hbm>> -> memref<1x128xi32, #tpu.memory_space<hbm>>
        tpu.enqueue_dma source(%dma_start3A_268 : memref<1x128xi32, #tpu.memory_space<hbm>>) target(%dma_start3A_266 : memref<1x128xi32, #tpu.memory_space<vmem>>) target_semaphore(%arg11 : memref<!tpu.dma_semaphore, #tpu.memory_space<semaphore_mem>>)
      } else {
      }
      %add3A_150 = arith.constant 1 : i32
      %add3A_151 = arith.addi %add3A_125, %add3A_150 : i32
      %lt3A_152 = arith.constant 256 : i32
      %lt3A_153 = arith.cmpi slt, %add3A_151, %lt3A_152 : i32
      %convert_element_type3A_154 = arith.extui %lt3A_153 : i1 to i32
      %cond3A_155 = arith.constant 0 : i32
      %cond3A_156 = arith.cmpi ne, %convert_element_type3A_154, %cond3A_155 : i32
      scf.if %cond3A_156 {
        %add3A_240 = arith.constant 1 : i32
        %add3A_241 = arith.addi %add3A_125, %add3A_240 : i32
        %mul3A_242 = arith.constant 2 : i32
        %mul3A_243 = arith.muli %add3A_241, %mul3A_242 : i32
        %add3A_244 = arith.addi %mul3A_2, %mul3A_243 : i32
        %add3A_245 = arith.constant 0 : i32
        %add3A_246 = arith.addi %add3A_244, %add3A_245 : i32
        %add3A_247 = arith.constant 1 : i32
        %add3A_248 = arith.addi %add3A_244, %add3A_247 : i32
        %dma_wait3A_249 = arith.constant 0 : i32
        %dma_wait3A_250 = arith.constant 0 : i32
        %dma_wait3A_251 = tpu.memref_slice %arg6[%dma_wait3A_249, %dma_wait3A_250] : memref<2x128xi32, #tpu.memory_space<vmem>> -> memref<1x128xi32, #tpu.memory_space<vmem>>
        %dma_wait3A_252 = arith.constant 0 : i32
        %dma_wait3A_253 = tpu.memref_slice %arg3[%add3A_246, %dma_wait3A_252] : memref<16384x128xi32, #tpu.memory_space<hbm>> -> memref<1x128xi32, #tpu.memory_space<hbm>>
        %dma_wait3A_254 = arith.constant 0 : i32
        %dma_wait3A_255 = arith.constant 0 : i32
        %dma_wait3A_256 = tpu.memref_slice %arg6[%dma_wait3A_254, %dma_wait3A_255] : memref<2x128xi32, #tpu.memory_space<vmem>> -> memref<1x128xi32, #tpu.memory_space<vmem>>
        %dma_wait3A_257 = arith.constant 0 : i32
        %dma_wait3A_258 = tpu.memref_slice %arg3[%add3A_246, %dma_wait3A_257] : memref<16384x128xi32, #tpu.memory_space<hbm>> -> memref<1x128xi32, #tpu.memory_space<hbm>>
        tpu.wait_dma2 semaphore(%arg12 : memref<!tpu.dma_semaphore, #tpu.memory_space<semaphore_mem>>) src(%dma_wait3A_258 : memref<1x128xi32, #tpu.memory_space<hbm>>) dst(%dma_wait3A_256 : memref<1x128xi32, #tpu.memory_space<vmem>>)
        %dma_wait3A_259 = arith.constant 1 : i32
        %dma_wait3A_260 = arith.constant 0 : i32
        %dma_wait3A_261 = tpu.memref_slice %arg6[%dma_wait3A_259, %dma_wait3A_260] : memref<2x128xi32, #tpu.memory_space<vmem>> -> memref<1x128xi32, #tpu.memory_space<vmem>>
        %dma_wait3A_262 = arith.constant 0 : i32
        %dma_wait3A_263 = tpu.memref_slice %arg3[%add3A_248, %dma_wait3A_262] : memref<16384x128xi32, #tpu.memory_space<hbm>> -> memref<1x128xi32, #tpu.memory_space<hbm>>
        %dma_wait3A_264 = arith.constant 1 : i32
        %dma_wait3A_265 = arith.constant 0 : i32
        %dma_wait3A_266 = tpu.memref_slice %arg6[%dma_wait3A_264, %dma_wait3A_265] : memref<2x128xi32, #tpu.memory_space<vmem>> -> memref<1x128xi32, #tpu.memory_space<vmem>>
        %dma_wait3A_267 = arith.constant 0 : i32
        %dma_wait3A_268 = tpu.memref_slice %arg3[%add3A_248, %dma_wait3A_267] : memref<16384x128xi32, #tpu.memory_space<hbm>> -> memref<1x128xi32, #tpu.memory_space<hbm>>
        tpu.wait_dma2 semaphore(%arg12 : memref<!tpu.dma_semaphore, #tpu.memory_space<semaphore_mem>>) src(%dma_wait3A_268 : memref<1x128xi32, #tpu.memory_space<hbm>>) dst(%dma_wait3A_266 : memref<1x128xi32, #tpu.memory_space<vmem>>)
        %dma_start3A_269 = arith.constant 0 : i32
        %dma_start3A_270 = arith.constant 0 : i32
        %dma_start3A_271 = arith.constant 0 : i32
        %dma_start3A_272 = tpu.memref_slice %arg8[%dma_start3A_270, %dma_start3A_271] : memref<100x128xf32, #tpu.memory_space<vmem>> -> memref<50x128xf32, #tpu.memory_space<vmem>>
        %dma_start3A_273 = arith.constant 0 : i32
        %dma_start3A_274 = tpu.memref_slice %arg6[%dma_start3A_269, %dma_start3A_273] : memref<2x128xi32, #tpu.memory_space<vmem>> -> memref<1x50xi32, #tpu.memory_space<vmem>>
        %dma_start3A_275 = tpu.memref_squeeze %dma_start3A_274 : memref<1x50xi32, #tpu.memory_space<vmem>> -> memref<50xi32, #tpu.memory_space<vmem>>
        %dma_start3A_276 = arith.constant 0 : i32
        %dma_start3A_277 = arith.constant 0 : i32
        %dma_start3A_278 = tpu.memref_slice %arg2[%dma_start3A_276, %dma_start3A_277] : memref<1000000x128xf32, #tpu.memory_space<hbm>> -> memref<1000000x128xf32, #tpu.memory_space<hbm>>
        tpu.enqueue_indirect_dma source(%dma_start3A_278 : memref<1000000x128xf32, #tpu.memory_space<hbm>>) target(%dma_start3A_272 : memref<50x128xf32, #tpu.memory_space<vmem>>) offsets(%dma_start3A_275 : memref<50xi32, #tpu.memory_space<vmem>>) semaphore(%arg14 : memref<!tpu.dma_semaphore, #tpu.memory_space<semaphore_mem>>)
        %dma_start3A_279 = arith.constant 1 : i32
        %dma_start3A_280 = arith.constant 50 : i32
        %dma_start3A_281 = arith.constant 0 : i32
        %dma_start3A_282 = tpu.memref_slice %arg8[%dma_start3A_280, %dma_start3A_281] : memref<100x128xf32, #tpu.memory_space<vmem>> -> memref<50x128xf32, #tpu.memory_space<vmem>>
        %dma_start3A_283 = arith.constant 0 : i32
        %dma_start3A_284 = tpu.memref_slice %arg6[%dma_start3A_279, %dma_start3A_283] : memref<2x128xi32, #tpu.memory_space<vmem>> -> memref<1x50xi32, #tpu.memory_space<vmem>>
        %dma_start3A_285 = tpu.memref_squeeze %dma_start3A_284 : memref<1x50xi32, #tpu.memory_space<vmem>> -> memref<50xi32, #tpu.memory_space<vmem>>
        %dma_start3A_286 = arith.constant 0 : i32
        %dma_start3A_287 = arith.constant 0 : i32
        %dma_start3A_288 = tpu.memref_slice %arg2[%dma_start3A_286, %dma_start3A_287] : memref<1000000x128xf32, #tpu.memory_space<hbm>> -> memref<1000000x128xf32, #tpu.memory_space<hbm>>
        tpu.enqueue_indirect_dma source(%dma_start3A_288 : memref<1000000x128xf32, #tpu.memory_space<hbm>>) target(%dma_start3A_282 : memref<50x128xf32, #tpu.memory_space<vmem>>) offsets(%dma_start3A_285 : memref<50xi32, #tpu.memory_space<vmem>>) semaphore(%arg14 : memref<!tpu.dma_semaphore, #tpu.memory_space<semaphore_mem>>)
      } else {
      }
      %ge3A = arith.constant 2 : i32
      %ge3A_157 = arith.cmpi sge, %add3A_125, %ge3A : i32
      %convert_element_type3A_158 = arith.extui %ge3A_157 : i1 to i32
      %cond3A_159 = arith.constant 0 : i32
      %cond3A_160 = arith.cmpi ne, %convert_element_type3A_158, %cond3A_159 : i32
      scf.if %cond3A_160 {
        %sub3A = arith.constant 2 : i32
        %sub3A_240 = arith.subi %add3A_125, %sub3A : i32
        %mul3A_241 = arith.constant 2 : i32
        %mul3A_242 = arith.muli %sub3A_240, %mul3A_241 : i32
        %add3A_243 = arith.addi %mul3A_2, %mul3A_242 : i32
        %dma_wait3A_244 = arith.constant 0 : i32
        %dma_wait3A_245 = arith.constant 0 : i32
        %dma_wait3A_246 = tpu.memref_slice %arg4[%add3A_243, %dma_wait3A_244, %dma_wait3A_245] : memref<16384x50x64xf32, #tpu.memory_space<hbm>> -> memref<2x50x64xf32, #tpu.memory_space<hbm>>
        %dma_wait3A_247 = arith.constant 0 : i32
        %dma_wait3A_248 = arith.constant 0 : i32
        %dma_wait3A_249 = tpu.memref_slice %arg4[%add3A_243, %dma_wait3A_247, %dma_wait3A_248] : memref<16384x50x64xf32, #tpu.memory_space<hbm>> -> memref<2x50x64xf32, #tpu.memory_space<hbm>>
        tpu.wait_dma2 semaphore(%arg15 : memref<!tpu.dma_semaphore, #tpu.memory_space<semaphore_mem>>) src(%arg9 : memref<2x50x64xf32, #tpu.memory_space<vmem>>) dst(%dma_wait3A_249 : memref<2x50x64xf32, #tpu.memory_space<hbm>>)
      } else {
      }
      %scan3A_161 = arith.constant 0 : i32
      %scan3A_162 = arith.constant 50 : i32
      %scan3A_163 = arith.addi %scan3A_161, %scan3A_162 : i32
      %scan3A_164 = arith.constant 1 : i32
      scf.for %scan3A_240 = %scan3A_161 to %scan3A_163 step %scan3A_164  : i32 {
        %mul3A_241 = arith.constant 1 : i32
        %mul3A_242 = arith.muli %scan3A_240, %mul3A_241 : i32
        %add3A_243 = arith.constant 0 : i32
        %add3A_244 = arith.addi %add3A_243, %mul3A_242 : i32
        %add3A_245 = arith.constant 0 : i32
        %add3A_246 = arith.addi %add3A_245, %add3A_244 : i32
        %get3A = arith.index_cast %add3A_246 : i32 to index
        %get3A_247 = arith.constant 0 : index
        %get3A_248 = tpu.vector_load %arg7[%get3A, %get3A_247] {strides = array<i32>} : memref<100x128xf32, #tpu.memory_space<vmem>>, vector<1x16xf32>,
        %get3A_249 = vector.shape_cast %get3A_248 : vector<1x16xf32> to vector<16xf32>
        %swap3A = arith.constant 0 : i32
        %swap3A_250 = arith.index_cast %swap3A : i32 to index
        %swap3A_251 = arith.index_cast %add3A_244 : i32 to index
        %swap3A_252 = arith.constant 0 : index
        %swap3A_253 = tpu.vector_load %arg9[%swap3A_250, %swap3A_251, %swap3A_252] {strides = array<i32>} : memref<2x50x64xf32, #tpu.memory_space<vmem>>, vector<1x1x16xf32>,
        %swap3A_254 = vector.shape_cast %swap3A_253 : vector<1x1x16xf32> to vector<16xf32>
        %swap3A_255 = vector.shape_cast %get3A_249 : vector<16xf32> to vector<1x1x16xf32>
        tpu.vector_store %arg9[%swap3A_250, %swap3A_251, %swap3A_252], %swap3A_255 {strides = array<i32>} : memref<2x50x64xf32, #tpu.memory_space<vmem>>, vector<1x1x16xf32>,
        %add3A_256 = arith.constant 0 : i32
        %add3A_257 = arith.addi %add3A_256, %add3A_244 : i32
        %get3A_258 = arith.index_cast %add3A_257 : i32 to index
        %get3A_259 = arith.constant 16 : index
        %get3A_260 = tpu.vector_load %arg7[%get3A_258, %get3A_259] {strides = array<i32>} : memref<100x128xf32, #tpu.memory_space<vmem>>, vector<1x16xf32>,
        %get3A_261 = vector.shape_cast %get3A_260 : vector<1x16xf32> to vector<16xf32>
        %swap3A_262 = arith.constant 0 : i32
        %swap3A_263 = arith.index_cast %swap3A_262 : i32 to index
        %swap3A_264 = arith.index_cast %add3A_244 : i32 to index
        %swap3A_265 = arith.constant 16 : index
        %swap3A_266 = tpu.vector_load %arg9[%swap3A_263, %swap3A_264, %swap3A_265] {strides = array<i32>} : memref<2x50x64xf32, #tpu.memory_space<vmem>>, vector<1x1x16xf32>,
        %swap3A_267 = vector.shape_cast %swap3A_266 : vector<1x1x16xf32> to vector<16xf32>
        %swap3A_268 = vector.shape_cast %get3A_261 : vector<16xf32> to vector<1x1x16xf32>
        tpu.vector_store %arg9[%swap3A_263, %swap3A_264, %swap3A_265], %swap3A_268 {strides = array<i32>} : memref<2x50x64xf32, #tpu.memory_space<vmem>>, vector<1x1x16xf32>,
        %add3A_269 = arith.constant 0 : i32
        %add3A_270 = arith.addi %add3A_269, %add3A_244 : i32
        %get3A_271 = arith.index_cast %add3A_270 : i32 to index
        %get3A_272 = arith.constant 32 : index
        %get3A_273 = tpu.vector_load %arg7[%get3A_271, %get3A_272] {strides = array<i32>} : memref<100x128xf32, #tpu.memory_space<vmem>>, vector<1x16xf32>,
        %get3A_274 = vector.shape_cast %get3A_273 : vector<1x16xf32> to vector<16xf32>
        %swap3A_275 = arith.constant 0 : i32
        %swap3A_276 = arith.index_cast %swap3A_275 : i32 to index
        %swap3A_277 = arith.index_cast %add3A_244 : i32 to index
        %swap3A_278 = arith.constant 32 : index
        %swap3A_279 = tpu.vector_load %arg9[%swap3A_276, %swap3A_277, %swap3A_278] {strides = array<i32>} : memref<2x50x64xf32, #tpu.memory_space<vmem>>, vector<1x1x16xf32>,
        %swap3A_280 = vector.shape_cast %swap3A_279 : vector<1x1x16xf32> to vector<16xf32>
        %swap3A_281 = vector.shape_cast %get3A_274 : vector<16xf32> to vector<1x1x16xf32>
        tpu.vector_store %arg9[%swap3A_276, %swap3A_277, %swap3A_278], %swap3A_281 {strides = array<i32>} : memref<2x50x64xf32, #tpu.memory_space<vmem>>, vector<1x1x16xf32>,
        %add3A_282 = arith.constant 0 : i32
        %add3A_283 = arith.addi %add3A_282, %add3A_244 : i32
        %get3A_284 = arith.index_cast %add3A_283 : i32 to index
        %get3A_285 = arith.constant 48 : index
        %get3A_286 = tpu.vector_load %arg7[%get3A_284, %get3A_285] {strides = array<i32>} : memref<100x128xf32, #tpu.memory_space<vmem>>, vector<1x16xf32>,
        %get3A_287 = vector.shape_cast %get3A_286 : vector<1x16xf32> to vector<16xf32>
        %swap3A_288 = arith.constant 0 : i32
        %swap3A_289 = arith.index_cast %swap3A_288 : i32 to index
        %swap3A_290 = arith.index_cast %add3A_244 : i32 to index
        %swap3A_291 = arith.constant 48 : index
        %swap3A_292 = tpu.vector_load %arg9[%swap3A_289, %swap3A_290, %swap3A_291] {strides = array<i32>} : memref<2x50x64xf32, #tpu.memory_space<vmem>>, vector<1x1x16xf32>,
        %swap3A_293 = vector.shape_cast %swap3A_292 : vector<1x1x16xf32> to vector<16xf32>
        %swap3A_294 = vector.shape_cast %get3A_287 : vector<16xf32> to vector<1x1x16xf32>
        tpu.vector_store %arg9[%swap3A_289, %swap3A_290, %swap3A_291], %swap3A_294 {strides = array<i32>} : memref<2x50x64xf32, #tpu.memory_space<vmem>>, vector<1x1x16xf32>,
      }
      %scan3A_165 = arith.constant 50 : i32
      %scan3A_166 = arith.constant 0 : i32
      %scan3A_167 = arith.constant 50 : i32
      %scan3A_168 = arith.addi %scan3A_166, %scan3A_167 : i32
      %scan3A_169 = arith.constant 1 : i32
      scf.for %scan3A_240 = %scan3A_166 to %scan3A_168 step %scan3A_169  : i32 {
        %mul3A_241 = arith.constant 1 : i32
        %mul3A_242 = arith.muli %scan3A_240, %mul3A_241 : i32
        %add3A_243 = arith.constant 0 : i32
        %add3A_244 = arith.addi %add3A_243, %mul3A_242 : i32
        %add3A_245 = arith.constant 50 : i32
        %add3A_246 = arith.addi %add3A_245, %add3A_244 : i32
        %get3A = arith.index_cast %add3A_246 : i32 to index
        %get3A_247 = arith.constant 0 : index
        %get3A_248 = tpu.vector_load %arg7[%get3A, %get3A_247] {strides = array<i32>} : memref<100x128xf32, #tpu.memory_space<vmem>>, vector<1x16xf32>,
        %get3A_249 = vector.shape_cast %get3A_248 : vector<1x16xf32> to vector<16xf32>
        %swap3A = arith.constant 1 : i32
        %swap3A_250 = arith.index_cast %swap3A : i32 to index
        %swap3A_251 = arith.index_cast %add3A_244 : i32 to index
        %swap3A_252 = arith.constant 0 : index
        %swap3A_253 = tpu.vector_load %arg9[%swap3A_250, %swap3A_251, %swap3A_252] {strides = array<i32>} : memref<2x50x64xf32, #tpu.memory_space<vmem>>, vector<1x1x16xf32>,
        %swap3A_254 = vector.shape_cast %swap3A_253 : vector<1x1x16xf32> to vector<16xf32>
        %swap3A_255 = vector.shape_cast %get3A_249 : vector<16xf32> to vector<1x1x16xf32>
        tpu.vector_store %arg9[%swap3A_250, %swap3A_251, %swap3A_252], %swap3A_255 {strides = array<i32>} : memref<2x50x64xf32, #tpu.memory_space<vmem>>, vector<1x1x16xf32>,
        %add3A_256 = arith.constant 50 : i32
        %add3A_257 = arith.addi %add3A_256, %add3A_244 : i32
        %get3A_258 = arith.index_cast %add3A_257 : i32 to index
        %get3A_259 = arith.constant 16 : index
        %get3A_260 = tpu.vector_load %arg7[%get3A_258, %get3A_259] {strides = array<i32>} : memref<100x128xf32, #tpu.memory_space<vmem>>, vector<1x16xf32>,
        %get3A_261 = vector.shape_cast %get3A_260 : vector<1x16xf32> to vector<16xf32>
        %swap3A_262 = arith.constant 1 : i32
        %swap3A_263 = arith.index_cast %swap3A_262 : i32 to index
        %swap3A_264 = arith.index_cast %add3A_244 : i32 to index
        %swap3A_265 = arith.constant 16 : index
        %swap3A_266 = tpu.vector_load %arg9[%swap3A_263, %swap3A_264, %swap3A_265] {strides = array<i32>} : memref<2x50x64xf32, #tpu.memory_space<vmem>>, vector<1x1x16xf32>,
        %swap3A_267 = vector.shape_cast %swap3A_266 : vector<1x1x16xf32> to vector<16xf32>
        %swap3A_268 = vector.shape_cast %get3A_261 : vector<16xf32> to vector<1x1x16xf32>
        tpu.vector_store %arg9[%swap3A_263, %swap3A_264, %swap3A_265], %swap3A_268 {strides = array<i32>} : memref<2x50x64xf32, #tpu.memory_space<vmem>>, vector<1x1x16xf32>,
        %add3A_269 = arith.constant 50 : i32
        %add3A_270 = arith.addi %add3A_269, %add3A_244 : i32
        %get3A_271 = arith.index_cast %add3A_270 : i32 to index
        %get3A_272 = arith.constant 32 : index
        %get3A_273 = tpu.vector_load %arg7[%get3A_271, %get3A_272] {strides = array<i32>} : memref<100x128xf32, #tpu.memory_space<vmem>>, vector<1x16xf32>,
        %get3A_274 = vector.shape_cast %get3A_273 : vector<1x16xf32> to vector<16xf32>
        %swap3A_275 = arith.constant 1 : i32
        %swap3A_276 = arith.index_cast %swap3A_275 : i32 to index
        %swap3A_277 = arith.index_cast %add3A_244 : i32 to index
        %swap3A_278 = arith.constant 32 : index
        %swap3A_279 = tpu.vector_load %arg9[%swap3A_276, %swap3A_277, %swap3A_278] {strides = array<i32>} : memref<2x50x64xf32, #tpu.memory_space<vmem>>, vector<1x1x16xf32>,
        %swap3A_280 = vector.shape_cast %swap3A_279 : vector<1x1x16xf32> to vector<16xf32>
        %swap3A_281 = vector.shape_cast %get3A_274 : vector<16xf32> to vector<1x1x16xf32>
        tpu.vector_store %arg9[%swap3A_276, %swap3A_277, %swap3A_278], %swap3A_281 {strides = array<i32>} : memref<2x50x64xf32, #tpu.memory_space<vmem>>, vector<1x1x16xf32>,
        %add3A_282 = arith.constant 50 : i32
        %add3A_283 = arith.addi %add3A_282, %add3A_244 : i32
        %get3A_284 = arith.index_cast %add3A_283 : i32 to index
        %get3A_285 = arith.constant 48 : index
        %get3A_286 = tpu.vector_load %arg7[%get3A_284, %get3A_285] {strides = array<i32>} : memref<100x128xf32, #tpu.memory_space<vmem>>, vector<1x16xf32>,
        %get3A_287 = vector.shape_cast %get3A_286 : vector<1x16xf32> to vector<16xf32>
        %swap3A_288 = arith.constant 1 : i32
        %swap3A_289 = arith.index_cast %swap3A_288 : i32 to index
        %swap3A_290 = arith.index_cast %add3A_244 : i32 to index
        %swap3A_291 = arith.constant 48 : index
        %swap3A_292 = tpu.vector_load %arg9[%swap3A_289, %swap3A_290, %swap3A_291] {strides = array<i32>} : memref<2x50x64xf32, #tpu.memory_space<vmem>>, vector<1x1x16xf32>,
        %swap3A_293 = vector.shape_cast %swap3A_292 : vector<1x1x16xf32> to vector<16xf32>
        %swap3A_294 = vector.shape_cast %get3A_287 : vector<16xf32> to vector<1x1x16xf32>
        tpu.vector_store %arg9[%swap3A_289, %swap3A_290, %swap3A_291], %swap3A_294 {strides = array<i32>} : memref<2x50x64xf32, #tpu.memory_space<vmem>>, vector<1x1x16xf32>,
      }
      %scan3A_170 = arith.constant 50 : i32
      %mul3A_171 = arith.constant 2 : i32
      %mul3A_172 = arith.muli %add3A_125, %mul3A_171 : i32
      %add3A_173 = arith.addi %mul3A_2, %mul3A_172 : i32
      %dma_start3A_174 = arith.constant 0 : i32
      %dma_start3A_175 = arith.constant 0 : i32
      %dma_start3A_176 = tpu.memref_slice %arg4[%add3A_173, %dma_start3A_174, %dma_start3A_175] : memref<16384x50x64xf32, #tpu.memory_space<hbm>> -> memref<2x50x64xf32, #tpu.memory_space<hbm>>
      %dma_start3A_177 = arith.constant 0 : i32
      %dma_start3A_178 = arith.constant 0 : i32
      %dma_start3A_179 = tpu.memref_slice %arg4[%add3A_173, %dma_start3A_177, %dma_start3A_178] : memref<16384x50x64xf32, #tpu.memory_space<hbm>> -> memref<2x50x64xf32, #tpu.memory_space<hbm>>
      tpu.enqueue_dma source(%arg9 : memref<2x50x64xf32, #tpu.memory_space<vmem>>) target(%dma_start3A_179 : memref<2x50x64xf32, #tpu.memory_space<hbm>>) target_semaphore(%arg15 : memref<!tpu.dma_semaphore, #tpu.memory_space<semaphore_mem>>)
      %add3A_180 = arith.constant 1 : i32
      %add3A_181 = arith.addi %add3A_123, %add3A_180 : i32
      %dma_wait3A_182 = arith.constant 0 : i32
      %dma_wait3A_183 = arith.constant 0 : i32
      %dma_wait3A_184 = arith.constant 0 : i32
      %dma_wait3A_185 = tpu.memref_slice %arg8[%dma_wait3A_183, %dma_wait3A_184] : memref<100x128xf32, #tpu.memory_space<vmem>> -> memref<50x128xf32, #tpu.memory_space<vmem>>
      %dma_wait3A_186 = arith.constant 0 : i32
      %dma_wait3A_187 = tpu.memref_slice %arg6[%dma_wait3A_182, %dma_wait3A_186] : memref<2x128xi32, #tpu.memory_space<vmem>> -> memref<1x50xi32, #tpu.memory_space<vmem>>
      %dma_wait3A_188 = tpu.memref_squeeze %dma_wait3A_187 : memref<1x50xi32, #tpu.memory_space<vmem>> -> memref<50xi32, #tpu.memory_space<vmem>>
      %dma_wait3A_189 = arith.constant 0 : i32
      %dma_wait3A_190 = arith.constant 0 : i32
      %dma_wait3A_191 = tpu.memref_slice %arg2[%dma_wait3A_189, %dma_wait3A_190] : memref<1000000x128xf32, #tpu.memory_space<hbm>> -> memref<1000000x128xf32, #tpu.memory_space<hbm>>
      tpu.wait_indirect_dma semaphore(%arg14 : memref<!tpu.dma_semaphore, #tpu.memory_space<semaphore_mem>>) src(%dma_wait3A_191 : memref<1000000x128xf32, #tpu.memory_space<hbm>>) dst(%dma_wait3A_185 : memref<50x128xf32, #tpu.memory_space<vmem>>)
      %dma_wait3A_192 = arith.constant 1 : i32
      %dma_wait3A_193 = arith.constant 50 : i32
      %dma_wait3A_194 = arith.constant 0 : i32
      %dma_wait3A_195 = tpu.memref_slice %arg8[%dma_wait3A_193, %dma_wait3A_194] : memref<100x128xf32, #tpu.memory_space<vmem>> -> memref<50x128xf32, #tpu.memory_space<vmem>>
      %dma_wait3A_196 = arith.constant 0 : i32
      %dma_wait3A_197 = tpu.memref_slice %arg6[%dma_wait3A_192, %dma_wait3A_196] : memref<2x128xi32, #tpu.memory_space<vmem>> -> memref<1x50xi32, #tpu.memory_space<vmem>>
      %dma_wait3A_198 = tpu.memref_squeeze %dma_wait3A_197 : memref<1x50xi32, #tpu.memory_space<vmem>> -> memref<50xi32, #tpu.memory_space<vmem>>
      %dma_wait3A_199 = arith.constant 0 : i32
      %dma_wait3A_200 = arith.constant 0 : i32
      %dma_wait3A_201 = tpu.memref_slice %arg2[%dma_wait3A_199, %dma_wait3A_200] : memref<1000000x128xf32, #tpu.memory_space<hbm>> -> memref<1000000x128xf32, #tpu.memory_space<hbm>>
      tpu.wait_indirect_dma semaphore(%arg14 : memref<!tpu.dma_semaphore, #tpu.memory_space<semaphore_mem>>) src(%dma_wait3A_201 : memref<1000000x128xf32, #tpu.memory_space<hbm>>) dst(%dma_wait3A_195 : memref<50x128xf32, #tpu.memory_space<vmem>>)
      %add3A_202 = arith.constant 2 : i32
      %add3A_203 = arith.addi %add3A_181, %add3A_202 : i32
      %lt3A_204 = arith.constant 256 : i32
      %lt3A_205 = arith.cmpi slt, %add3A_203, %lt3A_204 : i32
      %convert_element_type3A_206 = arith.extui %lt3A_205 : i1 to i32
      %cond3A_207 = arith.constant 0 : i32
      %cond3A_208 = arith.cmpi ne, %convert_element_type3A_206, %cond3A_207 : i32
      scf.if %cond3A_208 {
        %add3A_240 = arith.constant 2 : i32
        %add3A_241 = arith.addi %add3A_181, %add3A_240 : i32
        %mul3A_242 = arith.constant 2 : i32
        %mul3A_243 = arith.muli %add3A_241, %mul3A_242 : i32
        %add3A_244 = arith.addi %mul3A_2, %mul3A_243 : i32
        %add3A_245 = arith.constant 0 : i32
        %add3A_246 = arith.addi %add3A_244, %add3A_245 : i32
        %add3A_247 = arith.constant 1 : i32
        %add3A_248 = arith.addi %add3A_244, %add3A_247 : i32
        %dma_start3A_249 = arith.constant 0 : i32
        %dma_start3A_250 = arith.constant 0 : i32
        %dma_start3A_251 = tpu.memref_slice %arg6[%dma_start3A_249, %dma_start3A_250] : memref<2x128xi32, #tpu.memory_space<vmem>> -> memref<1x128xi32, #tpu.memory_space<vmem>>
        %dma_start3A_252 = arith.constant 0 : i32
        %dma_start3A_253 = tpu.memref_slice %arg3[%add3A_246, %dma_start3A_252] : memref<16384x128xi32, #tpu.memory_space<hbm>> -> memref<1x128xi32, #tpu.memory_space<hbm>>
        %dma_start3A_254 = arith.constant 0 : i32
        %dma_start3A_255 = arith.constant 0 : i32
        %dma_start3A_256 = tpu.memref_slice %arg6[%dma_start3A_254, %dma_start3A_255] : memref<2x128xi32, #tpu.memory_space<vmem>> -> memref<1x128xi32, #tpu.memory_space<vmem>>
        %dma_start3A_257 = arith.constant 0 : i32
        %dma_start3A_258 = tpu.memref_slice %arg3[%add3A_246, %dma_start3A_257] : memref<16384x128xi32, #tpu.memory_space<hbm>> -> memref<1x128xi32, #tpu.memory_space<hbm>>
        tpu.enqueue_dma source(%dma_start3A_258 : memref<1x128xi32, #tpu.memory_space<hbm>>) target(%dma_start3A_256 : memref<1x128xi32, #tpu.memory_space<vmem>>) target_semaphore(%arg12 : memref<!tpu.dma_semaphore, #tpu.memory_space<semaphore_mem>>)
        %dma_start3A_259 = arith.constant 1 : i32
        %dma_start3A_260 = arith.constant 0 : i32
        %dma_start3A_261 = tpu.memref_slice %arg6[%dma_start3A_259, %dma_start3A_260] : memref<2x128xi32, #tpu.memory_space<vmem>> -> memref<1x128xi32, #tpu.memory_space<vmem>>
        %dma_start3A_262 = arith.constant 0 : i32
        %dma_start3A_263 = tpu.memref_slice %arg3[%add3A_248, %dma_start3A_262] : memref<16384x128xi32, #tpu.memory_space<hbm>> -> memref<1x128xi32, #tpu.memory_space<hbm>>
        %dma_start3A_264 = arith.constant 1 : i32
        %dma_start3A_265 = arith.constant 0 : i32
        %dma_start3A_266 = tpu.memref_slice %arg6[%dma_start3A_264, %dma_start3A_265] : memref<2x128xi32, #tpu.memory_space<vmem>> -> memref<1x128xi32, #tpu.memory_space<vmem>>
        %dma_start3A_267 = arith.constant 0 : i32
        %dma_start3A_268 = tpu.memref_slice %arg3[%add3A_248, %dma_start3A_267] : memref<16384x128xi32, #tpu.memory_space<hbm>> -> memref<1x128xi32, #tpu.memory_space<hbm>>
        tpu.enqueue_dma source(%dma_start3A_268 : memref<1x128xi32, #tpu.memory_space<hbm>>) target(%dma_start3A_266 : memref<1x128xi32, #tpu.memory_space<vmem>>) target_semaphore(%arg12 : memref<!tpu.dma_semaphore, #tpu.memory_space<semaphore_mem>>)
      } else {
      }
      %add3A_209 = arith.constant 1 : i32
      %add3A_210 = arith.addi %add3A_181, %add3A_209 : i32
      %lt3A_211 = arith.constant 256 : i32
      %lt3A_212 = arith.cmpi slt, %add3A_210, %lt3A_211 : i32
      %convert_element_type3A_213 = arith.extui %lt3A_212 : i1 to i32
      %cond3A_214 = arith.constant 0 : i32
      %cond3A_215 = arith.cmpi ne, %convert_element_type3A_213, %cond3A_214 : i32
      scf.if %cond3A_215 {
        %add3A_240 = arith.constant 1 : i32
        %add3A_241 = arith.addi %add3A_181, %add3A_240 : i32
        %mul3A_242 = arith.constant 2 : i32
        %mul3A_243 = arith.muli %add3A_241, %mul3A_242 : i32
        %add3A_244 = arith.addi %mul3A_2, %mul3A_243 : i32
        %add3A_245 = arith.constant 0 : i32
        %add3A_246 = arith.addi %add3A_244, %add3A_245 : i32
        %add3A_247 = arith.constant 1 : i32
        %add3A_248 = arith.addi %add3A_244, %add3A_247 : i32
        %dma_wait3A_249 = arith.constant 0 : i32
        %dma_wait3A_250 = arith.constant 0 : i32
        %dma_wait3A_251 = tpu.memref_slice %arg5[%dma_wait3A_249, %dma_wait3A_250] : memref<2x128xi32, #tpu.memory_space<vmem>> -> memref<1x128xi32, #tpu.memory_space<vmem>>
        %dma_wait3A_252 = arith.constant 0 : i32
        %dma_wait3A_253 = tpu.memref_slice %arg3[%add3A_246, %dma_wait3A_252] : memref<16384x128xi32, #tpu.memory_space<hbm>> -> memref<1x128xi32, #tpu.memory_space<hbm>>
        %dma_wait3A_254 = arith.constant 0 : i32
        %dma_wait3A_255 = arith.constant 0 : i32
        %dma_wait3A_256 = tpu.memref_slice %arg5[%dma_wait3A_254, %dma_wait3A_255] : memref<2x128xi32, #tpu.memory_space<vmem>> -> memref<1x128xi32, #tpu.memory_space<vmem>>
        %dma_wait3A_257 = arith.constant 0 : i32
        %dma_wait3A_258 = tpu.memref_slice %arg3[%add3A_246, %dma_wait3A_257] : memref<16384x128xi32, #tpu.memory_space<hbm>> -> memref<1x128xi32, #tpu.memory_space<hbm>>
        tpu.wait_dma2 semaphore(%arg11 : memref<!tpu.dma_semaphore, #tpu.memory_space<semaphore_mem>>) src(%dma_wait3A_258 : memref<1x128xi32, #tpu.memory_space<hbm>>) dst(%dma_wait3A_256 : memref<1x128xi32, #tpu.memory_space<vmem>>)
        %dma_wait3A_259 = arith.constant 1 : i32
        %dma_wait3A_260 = arith.constant 0 : i32
        %dma_wait3A_261 = tpu.memref_slice %arg5[%dma_wait3A_259, %dma_wait3A_260] : memref<2x128xi32, #tpu.memory_space<vmem>> -> memref<1x128xi32, #tpu.memory_space<vmem>>
        %dma_wait3A_262 = arith.constant 0 : i32
        %dma_wait3A_263 = tpu.memref_slice %arg3[%add3A_248, %dma_wait3A_262] : memref<16384x128xi32, #tpu.memory_space<hbm>> -> memref<1x128xi32, #tpu.memory_space<hbm>>
        %dma_wait3A_264 = arith.constant 1 : i32
        %dma_wait3A_265 = arith.constant 0 : i32
        %dma_wait3A_266 = tpu.memref_slice %arg5[%dma_wait3A_264, %dma_wait3A_265] : memref<2x128xi32, #tpu.memory_space<vmem>> -> memref<1x128xi32, #tpu.memory_space<vmem>>
        %dma_wait3A_267 = arith.constant 0 : i32
        %dma_wait3A_268 = tpu.memref_slice %arg3[%add3A_248, %dma_wait3A_267] : memref<16384x128xi32, #tpu.memory_space<hbm>> -> memref<1x128xi32, #tpu.memory_space<hbm>>
        tpu.wait_dma2 semaphore(%arg11 : memref<!tpu.dma_semaphore, #tpu.memory_space<semaphore_mem>>) src(%dma_wait3A_268 : memref<1x128xi32, #tpu.memory_space<hbm>>) dst(%dma_wait3A_266 : memref<1x128xi32, #tpu.memory_space<vmem>>)
        %dma_start3A_269 = arith.constant 0 : i32
        %dma_start3A_270 = arith.constant 0 : i32
        %dma_start3A_271 = arith.constant 0 : i32
        %dma_start3A_272 = tpu.memref_slice %arg7[%dma_start3A_270, %dma_start3A_271] : memref<100x128xf32, #tpu.memory_space<vmem>> -> memref<50x128xf32, #tpu.memory_space<vmem>>
        %dma_start3A_273 = arith.constant 0 : i32
        %dma_start3A_274 = tpu.memref_slice %arg5[%dma_start3A_269, %dma_start3A_273] : memref<2x128xi32, #tpu.memory_space<vmem>> -> memref<1x50xi32, #tpu.memory_space<vmem>>
        %dma_start3A_275 = tpu.memref_squeeze %dma_start3A_274 : memref<1x50xi32, #tpu.memory_space<vmem>> -> memref<50xi32, #tpu.memory_space<vmem>>
        %dma_start3A_276 = arith.constant 0 : i32
        %dma_start3A_277 = arith.constant 0 : i32
        %dma_start3A_278 = tpu.memref_slice %arg2[%dma_start3A_276, %dma_start3A_277] : memref<1000000x128xf32, #tpu.memory_space<hbm>> -> memref<1000000x128xf32, #tpu.memory_space<hbm>>
        tpu.enqueue_indirect_dma source(%dma_start3A_278 : memref<1000000x128xf32, #tpu.memory_space<hbm>>) target(%dma_start3A_272 : memref<50x128xf32, #tpu.memory_space<vmem>>) offsets(%dma_start3A_275 : memref<50xi32, #tpu.memory_space<vmem>>) semaphore(%arg13 : memref<!tpu.dma_semaphore, #tpu.memory_space<semaphore_mem>>)
        %dma_start3A_279 = arith.constant 1 : i32
        %dma_start3A_280 = arith.constant 50 : i32
        %dma_start3A_281 = arith.constant 0 : i32
        %dma_start3A_282 = tpu.memref_slice %arg7[%dma_start3A_280, %dma_start3A_281] : memref<100x128xf32, #tpu.memory_space<vmem>> -> memref<50x128xf32, #tpu.memory_space<vmem>>
        %dma_start3A_283 = arith.constant 0 : i32
        %dma_start3A_284 = tpu.memref_slice %arg5[%dma_start3A_279, %dma_start3A_283] : memref<2x128xi32, #tpu.memory_space<vmem>> -> memref<1x50xi32, #tpu.memory_space<vmem>>
        %dma_start3A_285 = tpu.memref_squeeze %dma_start3A_284 : memref<1x50xi32, #tpu.memory_space<vmem>> -> memref<50xi32, #tpu.memory_space<vmem>>
        %dma_start3A_286 = arith.constant 0 : i32
        %dma_start3A_287 = arith.constant 0 : i32
        %dma_start3A_288 = tpu.memref_slice %arg2[%dma_start3A_286, %dma_start3A_287] : memref<1000000x128xf32, #tpu.memory_space<hbm>> -> memref<1000000x128xf32, #tpu.memory_space<hbm>>
        tpu.enqueue_indirect_dma source(%dma_start3A_288 : memref<1000000x128xf32, #tpu.memory_space<hbm>>) target(%dma_start3A_282 : memref<50x128xf32, #tpu.memory_space<vmem>>) offsets(%dma_start3A_285 : memref<50xi32, #tpu.memory_space<vmem>>) semaphore(%arg13 : memref<!tpu.dma_semaphore, #tpu.memory_space<semaphore_mem>>)
      } else {
      }
      %ge3A_216 = arith.constant 2 : i32
      %ge3A_217 = arith.cmpi sge, %add3A_181, %ge3A_216 : i32
      %convert_element_type3A_218 = arith.extui %ge3A_217 : i1 to i32
      %cond3A_219 = arith.constant 0 : i32
      %cond3A_220 = arith.cmpi ne, %convert_element_type3A_218, %cond3A_219 : i32
      scf.if %cond3A_220 {
        %sub3A = arith.constant 2 : i32
        %sub3A_240 = arith.subi %add3A_181, %sub3A : i32
        %mul3A_241 = arith.constant 2 : i32
        %mul3A_242 = arith.muli %sub3A_240, %mul3A_241 : i32
        %add3A_243 = arith.addi %mul3A_2, %mul3A_242 : i32
        %dma_wait3A_244 = arith.constant 0 : i32
        %dma_wait3A_245 = arith.constant 0 : i32
        %dma_wait3A_246 = tpu.memref_slice %arg4[%add3A_243, %dma_wait3A_244, %dma_wait3A_245] : memref<16384x50x64xf32, #tpu.memory_space<hbm>> -> memref<2x50x64xf32, #tpu.memory_space<hbm>>
        %dma_wait3A_247 = arith.constant 0 : i32
        %dma_wait3A_248 = arith.constant 0 : i32
        %dma_wait3A_249 = tpu.memref_slice %arg4[%add3A_243, %dma_wait3A_247, %dma_wait3A_248] : memref<16384x50x64xf32, #tpu.memory_space<hbm>> -> memref<2x50x64xf32, #tpu.memory_space<hbm>>
        tpu.wait_dma2 semaphore(%arg16 : memref<!tpu.dma_semaphore, #tpu.memory_space<semaphore_mem>>) src(%arg10 : memref<2x50x64xf32, #tpu.memory_space<vmem>>) dst(%dma_wait3A_249 : memref<2x50x64xf32, #tpu.memory_space<hbm>>)
      } else {
      }
      %scan3A_221 = arith.constant 0 : i32
      %scan3A_222 = arith.constant 50 : i32
      %scan3A_223 = arith.addi %scan3A_221, %scan3A_222 : i32
      %scan3A_224 = arith.constant 1 : i32
      scf.for %scan3A_240 = %scan3A_221 to %scan3A_223 step %scan3A_224  : i32 {
        %mul3A_241 = arith.constant 1 : i32
        %mul3A_242 = arith.muli %scan3A_240, %mul3A_241 : i32
        %add3A_243 = arith.constant 0 : i32
        %add3A_244 = arith.addi %add3A_243, %mul3A_242 : i32
        %add3A_245 = arith.constant 0 : i32
        %add3A_246 = arith.addi %add3A_245, %add3A_244 : i32
        %get3A = arith.index_cast %add3A_246 : i32 to index
        %get3A_247 = arith.constant 0 : index
        %get3A_248 = tpu.vector_load %arg8[%get3A, %get3A_247] {strides = array<i32>} : memref<100x128xf32, #tpu.memory_space<vmem>>, vector<1x16xf32>,
        %get3A_249 = vector.shape_cast %get3A_248 : vector<1x16xf32> to vector<16xf32>
        %swap3A = arith.constant 0 : i32
        %swap3A_250 = arith.index_cast %swap3A : i32 to index
        %swap3A_251 = arith.index_cast %add3A_244 : i32 to index
        %swap3A_252 = arith.constant 0 : index
        %swap3A_253 = tpu.vector_load %arg10[%swap3A_250, %swap3A_251, %swap3A_252] {strides = array<i32>} : memref<2x50x64xf32, #tpu.memory_space<vmem>>, vector<1x1x16xf32>,
        %swap3A_254 = vector.shape_cast %swap3A_253 : vector<1x1x16xf32> to vector<16xf32>
        %swap3A_255 = vector.shape_cast %get3A_249 : vector<16xf32> to vector<1x1x16xf32>
        tpu.vector_store %arg10[%swap3A_250, %swap3A_251, %swap3A_252], %swap3A_255 {strides = array<i32>} : memref<2x50x64xf32, #tpu.memory_space<vmem>>, vector<1x1x16xf32>,
        %add3A_256 = arith.constant 0 : i32
        %add3A_257 = arith.addi %add3A_256, %add3A_244 : i32
        %get3A_258 = arith.index_cast %add3A_257 : i32 to index
        %get3A_259 = arith.constant 16 : index
        %get3A_260 = tpu.vector_load %arg8[%get3A_258, %get3A_259] {strides = array<i32>} : memref<100x128xf32, #tpu.memory_space<vmem>>, vector<1x16xf32>,
        %get3A_261 = vector.shape_cast %get3A_260 : vector<1x16xf32> to vector<16xf32>
        %swap3A_262 = arith.constant 0 : i32
        %swap3A_263 = arith.index_cast %swap3A_262 : i32 to index
        %swap3A_264 = arith.index_cast %add3A_244 : i32 to index
        %swap3A_265 = arith.constant 16 : index
        %swap3A_266 = tpu.vector_load %arg10[%swap3A_263, %swap3A_264, %swap3A_265] {strides = array<i32>} : memref<2x50x64xf32, #tpu.memory_space<vmem>>, vector<1x1x16xf32>,
        %swap3A_267 = vector.shape_cast %swap3A_266 : vector<1x1x16xf32> to vector<16xf32>
        %swap3A_268 = vector.shape_cast %get3A_261 : vector<16xf32> to vector<1x1x16xf32>
        tpu.vector_store %arg10[%swap3A_263, %swap3A_264, %swap3A_265], %swap3A_268 {strides = array<i32>} : memref<2x50x64xf32, #tpu.memory_space<vmem>>, vector<1x1x16xf32>,
        %add3A_269 = arith.constant 0 : i32
        %add3A_270 = arith.addi %add3A_269, %add3A_244 : i32
        %get3A_271 = arith.index_cast %add3A_270 : i32 to index
        %get3A_272 = arith.constant 32 : index
        %get3A_273 = tpu.vector_load %arg8[%get3A_271, %get3A_272] {strides = array<i32>} : memref<100x128xf32, #tpu.memory_space<vmem>>, vector<1x16xf32>,
        %get3A_274 = vector.shape_cast %get3A_273 : vector<1x16xf32> to vector<16xf32>
        %swap3A_275 = arith.constant 0 : i32
        %swap3A_276 = arith.index_cast %swap3A_275 : i32 to index
        %swap3A_277 = arith.index_cast %add3A_244 : i32 to index
        %swap3A_278 = arith.constant 32 : index
        %swap3A_279 = tpu.vector_load %arg10[%swap3A_276, %swap3A_277, %swap3A_278] {strides = array<i32>} : memref<2x50x64xf32, #tpu.memory_space<vmem>>, vector<1x1x16xf32>,
        %swap3A_280 = vector.shape_cast %swap3A_279 : vector<1x1x16xf32> to vector<16xf32>
        %swap3A_281 = vector.shape_cast %get3A_274 : vector<16xf32> to vector<1x1x16xf32>
        tpu.vector_store %arg10[%swap3A_276, %swap3A_277, %swap3A_278], %swap3A_281 {strides = array<i32>} : memref<2x50x64xf32, #tpu.memory_space<vmem>>, vector<1x1x16xf32>,
        %add3A_282 = arith.constant 0 : i32
        %add3A_283 = arith.addi %add3A_282, %add3A_244 : i32
        %get3A_284 = arith.index_cast %add3A_283 : i32 to index
        %get3A_285 = arith.constant 48 : index
        %get3A_286 = tpu.vector_load %arg8[%get3A_284, %get3A_285] {strides = array<i32>} : memref<100x128xf32, #tpu.memory_space<vmem>>, vector<1x16xf32>,
        %get3A_287 = vector.shape_cast %get3A_286 : vector<1x16xf32> to vector<16xf32>
        %swap3A_288 = arith.constant 0 : i32
        %swap3A_289 = arith.index_cast %swap3A_288 : i32 to index
        %swap3A_290 = arith.index_cast %add3A_244 : i32 to index
        %swap3A_291 = arith.constant 48 : index
        %swap3A_292 = tpu.vector_load %arg10[%swap3A_289, %swap3A_290, %swap3A_291] {strides = array<i32>} : memref<2x50x64xf32, #tpu.memory_space<vmem>>, vector<1x1x16xf32>,
        %swap3A_293 = vector.shape_cast %swap3A_292 : vector<1x1x16xf32> to vector<16xf32>
        %swap3A_294 = vector.shape_cast %get3A_287 : vector<16xf32> to vector<1x1x16xf32>
        tpu.vector_store %arg10[%swap3A_289, %swap3A_290, %swap3A_291], %swap3A_294 {strides = array<i32>} : memref<2x50x64xf32, #tpu.memory_space<vmem>>, vector<1x1x16xf32>,
      }
      %scan3A_225 = arith.constant 50 : i32
      %scan3A_226 = arith.constant 0 : i32
      %scan3A_227 = arith.constant 50 : i32
      %scan3A_228 = arith.addi %scan3A_226, %scan3A_227 : i32
      %scan3A_229 = arith.constant 1 : i32
      scf.for %scan3A_240 = %scan3A_226 to %scan3A_228 step %scan3A_229  : i32 {
        %mul3A_241 = arith.constant 1 : i32
        %mul3A_242 = arith.muli %scan3A_240, %mul3A_241 : i32
        %add3A_243 = arith.constant 0 : i32
        %add3A_244 = arith.addi %add3A_243, %mul3A_242 : i32
        %add3A_245 = arith.constant 50 : i32
        %add3A_246 = arith.addi %add3A_245, %add3A_244 : i32
        %get3A = arith.index_cast %add3A_246 : i32 to index
        %get3A_247 = arith.constant 0 : index
        %get3A_248 = tpu.vector_load %arg8[%get3A, %get3A_247] {strides = array<i32>} : memref<100x128xf32, #tpu.memory_space<vmem>>, vector<1x16xf32>,
        %get3A_249 = vector.shape_cast %get3A_248 : vector<1x16xf32> to vector<16xf32>
        %swap3A = arith.constant 1 : i32
        %swap3A_250 = arith.index_cast %swap3A : i32 to index
        %swap3A_251 = arith.index_cast %add3A_244 : i32 to index
        %swap3A_252 = arith.constant 0 : index
        %swap3A_253 = tpu.vector_load %arg10[%swap3A_250, %swap3A_251, %swap3A_252] {strides = array<i32>} : memref<2x50x64xf32, #tpu.memory_space<vmem>>, vector<1x1x16xf32>,
        %swap3A_254 = vector.shape_cast %swap3A_253 : vector<1x1x16xf32> to vector<16xf32>
        %swap3A_255 = vector.shape_cast %get3A_249 : vector<16xf32> to vector<1x1x16xf32>
        tpu.vector_store %arg10[%swap3A_250, %swap3A_251, %swap3A_252], %swap3A_255 {strides = array<i32>} : memref<2x50x64xf32, #tpu.memory_space<vmem>>, vector<1x1x16xf32>,
        %add3A_256 = arith.constant 50 : i32
        %add3A_257 = arith.addi %add3A_256, %add3A_244 : i32
        %get3A_258 = arith.index_cast %add3A_257 : i32 to index
        %get3A_259 = arith.constant 16 : index
        %get3A_260 = tpu.vector_load %arg8[%get3A_258, %get3A_259] {strides = array<i32>} : memref<100x128xf32, #tpu.memory_space<vmem>>, vector<1x16xf32>,
        %get3A_261 = vector.shape_cast %get3A_260 : vector<1x16xf32> to vector<16xf32>
        %swap3A_262 = arith.constant 1 : i32
        %swap3A_263 = arith.index_cast %swap3A_262 : i32 to index
        %swap3A_264 = arith.index_cast %add3A_244 : i32 to index
        %swap3A_265 = arith.constant 16 : index
        %swap3A_266 = tpu.vector_load %arg10[%swap3A_263, %swap3A_264, %swap3A_265] {strides = array<i32>} : memref<2x50x64xf32, #tpu.memory_space<vmem>>, vector<1x1x16xf32>,
        %swap3A_267 = vector.shape_cast %swap3A_266 : vector<1x1x16xf32> to vector<16xf32>
        %swap3A_268 = vector.shape_cast %get3A_261 : vector<16xf32> to vector<1x1x16xf32>
        tpu.vector_store %arg10[%swap3A_263, %swap3A_264, %swap3A_265], %swap3A_268 {strides = array<i32>} : memref<2x50x64xf32, #tpu.memory_space<vmem>>, vector<1x1x16xf32>,
        %add3A_269 = arith.constant 50 : i32
        %add3A_270 = arith.addi %add3A_269, %add3A_244 : i32
        %get3A_271 = arith.index_cast %add3A_270 : i32 to index
        %get3A_272 = arith.constant 32 : index
        %get3A_273 = tpu.vector_load %arg8[%get3A_271, %get3A_272] {strides = array<i32>} : memref<100x128xf32, #tpu.memory_space<vmem>>, vector<1x16xf32>,
        %get3A_274 = vector.shape_cast %get3A_273 : vector<1x16xf32> to vector<16xf32>
        %swap3A_275 = arith.constant 1 : i32
        %swap3A_276 = arith.index_cast %swap3A_275 : i32 to index
        %swap3A_277 = arith.index_cast %add3A_244 : i32 to index
        %swap3A_278 = arith.constant 32 : index
        %swap3A_279 = tpu.vector_load %arg10[%swap3A_276, %swap3A_277, %swap3A_278] {strides = array<i32>} : memref<2x50x64xf32, #tpu.memory_space<vmem>>, vector<1x1x16xf32>,
        %swap3A_280 = vector.shape_cast %swap3A_279 : vector<1x1x16xf32> to vector<16xf32>
        %swap3A_281 = vector.shape_cast %get3A_274 : vector<16xf32> to vector<1x1x16xf32>
        tpu.vector_store %arg10[%swap3A_276, %swap3A_277, %swap3A_278], %swap3A_281 {strides = array<i32>} : memref<2x50x64xf32, #tpu.memory_space<vmem>>, vector<1x1x16xf32>,
        %add3A_282 = arith.constant 50 : i32
        %add3A_283 = arith.addi %add3A_282, %add3A_244 : i32
        %get3A_284 = arith.index_cast %add3A_283 : i32 to index
        %get3A_285 = arith.constant 48 : index
        %get3A_286 = tpu.vector_load %arg8[%get3A_284, %get3A_285] {strides = array<i32>} : memref<100x128xf32, #tpu.memory_space<vmem>>, vector<1x16xf32>,
        %get3A_287 = vector.shape_cast %get3A_286 : vector<1x16xf32> to vector<16xf32>
        %swap3A_288 = arith.constant 1 : i32
        %swap3A_289 = arith.index_cast %swap3A_288 : i32 to index
        %swap3A_290 = arith.index_cast %add3A_244 : i32 to index
        %swap3A_291 = arith.constant 48 : index
        %swap3A_292 = tpu.vector_load %arg10[%swap3A_289, %swap3A_290, %swap3A_291] {strides = array<i32>} : memref<2x50x64xf32, #tpu.memory_space<vmem>>, vector<1x1x16xf32>,
        %swap3A_293 = vector.shape_cast %swap3A_292 : vector<1x1x16xf32> to vector<16xf32>
        %swap3A_294 = vector.shape_cast %get3A_287 : vector<16xf32> to vector<1x1x16xf32>
        tpu.vector_store %arg10[%swap3A_289, %swap3A_290, %swap3A_291], %swap3A_294 {strides = array<i32>} : memref<2x50x64xf32, #tpu.memory_space<vmem>>, vector<1x1x16xf32>,
      }
      %scan3A_230 = arith.constant 50 : i32
      %mul3A_231 = arith.constant 2 : i32
      %mul3A_232 = arith.muli %add3A_181, %mul3A_231 : i32
      %add3A_233 = arith.addi %mul3A_2, %mul3A_232 : i32
      %dma_start3A_234 = arith.constant 0 : i32
      %dma_start3A_235 = arith.constant 0 : i32
      %dma_start3A_236 = tpu.memref_slice %arg4[%add3A_233, %dma_start3A_234, %dma_start3A_235] : memref<16384x50x64xf32, #tpu.memory_space<hbm>> -> memref<2x50x64xf32, #tpu.memory_space<hbm>>
      %dma_start3A_237 = arith.constant 0 : i32
      %dma_start3A_238 = arith.constant 0 : i32
      %dma_start3A_239 = tpu.memref_slice %arg4[%add3A_233, %dma_start3A_237, %dma_start3A_238] : memref<16384x50x64xf32, #tpu.memory_space<hbm>> -> memref<2x50x64xf32, #tpu.memory_space<hbm>>
      tpu.enqueue_dma source(%arg10 : memref<2x50x64xf32, #tpu.memory_space<vmem>>) target(%dma_start3A_239 : memref<2x50x64xf32, #tpu.memory_space<hbm>>) target_semaphore(%arg16 : memref<!tpu.dma_semaphore, #tpu.memory_space<semaphore_mem>>)
    }
    %scan3A_102 = arith.constant 128 : i32
    %add3A_103 = arith.constant 508 : i32
    %add3A_104 = arith.addi %mul3A_2, %add3A_103 : i32
    %dma_wait3A_105 = arith.constant 0 : i32
    %dma_wait3A_106 = arith.constant 0 : i32
    %dma_wait3A_107 = tpu.memref_slice %arg4[%add3A_104, %dma_wait3A_105, %dma_wait3A_106] : memref<16384x50x64xf32, #tpu.memory_space<hbm>> -> memref<2x50x64xf32, #tpu.memory_space<hbm>>
    %dma_wait3A_108 = arith.constant 0 : i32
    %dma_wait3A_109 = arith.constant 0 : i32
    %dma_wait3A_110 = tpu.memref_slice %arg4[%add3A_104, %dma_wait3A_108, %dma_wait3A_109] : memref<16384x50x64xf32, #tpu.memory_space<hbm>> -> memref<2x50x64xf32, #tpu.memory_space<hbm>>
    tpu.wait_dma2 semaphore(%arg15 : memref<!tpu.dma_semaphore, #tpu.memory_space<semaphore_mem>>) src(%arg9 : memref<2x50x64xf32, #tpu.memory_space<vmem>>) dst(%dma_wait3A_110 : memref<2x50x64xf32, #tpu.memory_space<hbm>>)
    %add3A_111 = arith.constant 510 : i32
    %add3A_112 = arith.addi %mul3A_2, %add3A_111 : i32
    %dma_wait3A_113 = arith.constant 0 : i32
    %dma_wait3A_114 = arith.constant 0 : i32
    %dma_wait3A_115 = tpu.memref_slice %arg4[%add3A_112, %dma_wait3A_113, %dma_wait3A_114] : memref<16384x50x64xf32, #tpu.memory_space<hbm>> -> memref<2x50x64xf32, #tpu.memory_space<hbm>>
    %dma_wait3A_116 = arith.constant 0 : i32
    %dma_wait3A_117 = arith.constant 0 : i32
    %dma_wait3A_118 = tpu.memref_slice %arg4[%add3A_112, %dma_wait3A_116, %dma_wait3A_117] : memref<16384x50x64xf32, #tpu.memory_space<hbm>> -> memref<2x50x64xf32, #tpu.memory_space<hbm>>
    tpu.wait_dma2 semaphore(%arg16 : memref<!tpu.dma_semaphore, #tpu.memory_space<semaphore_mem>>) src(%arg10 : memref<2x50x64xf32, #tpu.memory_space<vmem>>) dst(%dma_wait3A_118 : memref<2x50x64xf32, #tpu.memory_space<hbm>>)
    return
  }
}

</mosaic_0001>

<sc_bundles>
// kernel: kernel.3.cloned.1.call-start
scs
__scs_entry_jumppad:
0x0: {  	(pc) =	sbr.rel $0x88, $3  }
0x1: {  	(tag) =	ssettag $0x0;
	lr =	simm.s32 $0x1  }
0x2: {  	[smem:$0x3F9F] =	sst lr;
	_ =	strace $0xD0000000  }
0x3: {  	_ = 	snop  }
0x4: {  	_ = 	snop  }
0x5: {  	_ = 	snop  }
0x6: {  	_ = 	snop  }
0x7: {  	_ = 	snop  }
__scs_overlays_trampoline_lowered:
0x8: {  	[smem:$0x3FAE] =	sst s0  }
0x9: {  	[smem:$0x3FAF] =	sst s1  }
0xa: {  	[smem:$0x3FB0] =	sst s2  }
0xb: {  	[smem:$0x3FB1] =	sst s3  }
0xc: {  	[smem:$0x3FB2] =	sst s4  }
0xd: {  	[smem:$0x3FB3] =	sst s5  }
0xe: {  	[smem:$0x3FB4] =	sst s6  }
0xf: {  	[smem:$0x3FB5] =	sst s7  }
0x10: {  	[smem:$0x3FB6] =	sst s8  }
0x11: {  	[smem:$0x3FB7] =	sst s9;
	s0 =	simm.s32 @!p0 $0x0  }
0x12: {  	s1 =	sld [smem:$0x3F9D];
	s0 =	simm.s32 @p0 $0x1  }
0x13: {  	[smem:$0x3FB8] =	sst s0;
	s0 =	simm.s32 @!p1 $0x0  }
0x14: {  	s2 =	sld [smem:$0x3F9C];
	s0 =	simm.s32 @p1 $0x1  }
0x15: {  	[smem:$0x3FB9] =	sst s0;
	s0 =	simm.s32 @!p2 $0x0  }
0x16: {  	s3 =	sld [smem:$0x3FDB];
	s0 =	simm.s32 @p2 $0x1  }
0x17: {  	s4 =	simm.s32 $0x1BF5;
	[smem:$0x3FBB] =	sst s0  }
0x18: {  	s0 =	sld [smem:$0x3F9E];
	_ =	swait.ge [sflag:s4], $0x0  }
0x19: {  	s7 =	sld [smem:$0x3F9F]  }
0x1a: {  	s8 =	sadd.s32 $0xFFFFE003, lr  }
0x1b: {  	s9 =	sadd.s32 $0xFFFFFEF7, lr;
	s5 =	simm.s32 $0xFFFFFFFF;
	p2 =	slt.u32 s8, $0xFFFFF086  }
0x1c: {  	p1 =	slt.u32 s9, $0xF7A;
	s5 =	simm.s32 @!p2 $0x0  }
0x1d: {  	s5 =	simm.s32 @p1 $0x1;
	p0 =	seq.s32 s7, s2  }
0x1e: {  	s7 =	smul.u32 @!p0 $0xF7A, s2;
	p2 =	seq.s32 @!p0 s5, $0x0  }
0x1f: {  	s9 =	smul.u32 $0xF7A, s1;
	s8 =	simm.s32 @!p0 $0x1BF5;
	p2 =	por !p2, p0  }
0x20: {  	[sflag:s8] =	ssyncset.s32 @!p0 $0xFFFFF086;
	s6 =	sadd.s32 @!p0 s3, s7;
	s7 =	simm.s32 @!p0 $0x108  }
0x21: {  	s3 =	sadd.s32 s3, s9;
	s6 =	sadd.s32 @!p0 $0x88, s6;
	s7 =	simm.s32 @p2 $0x1082  }
0x22: {  	[simem:s7], [sflag:s8] =	dma.local @!p0 [hbm:s6], $0xF7A  }
0x23: {  	s9 =	sor.u32 $0xD0000000, s2;
	s6 =	simm.s32 $0x108;
	_ =	swait.ge @!p0 [sflag:s8], $0x0  }
0x24: {  	s3 =	sadd.s32 $0x88, s3;
	s6 =	simm.s32 @!p1 $0x1082;
	[sflag:s4] =	ssyncset.s32 $0xFFFFF086  }
0x25: {  	[simem:s6], [sflag:s4] =	dma.local [hbm:s3], $0xF7A  }
0x26: {  	[smem:$0x3F9F] =	sst s1;
	(tag) =	ssettag s2;
	_ =	strace s9  }
0x27: {  	s1 =	sld [smem:$0x3FAF]  }
0x28: {  	s2 =	sld [smem:$0x3FB0]  }
0x29: {  	s4 =	sld [smem:$0x3FB2]  }
0x2a: {  	p0 =	seq.s32 s5, $0x0;
	s5 =	sld [smem:$0x3FB3]  }
0x2b: {  	s6 =	sld [smem:$0x3FB4]  }
0x2c: {  	s7 =	sld [smem:$0x3FB5]  }
0x2d: {  	s3 =	simm.s32 $0x108;
	s8 =	sld [smem:$0x3FB6]  }
0x2e: {  	s3 =	simm.s32 @!p0 $0x1082;
	s9 =	sld [smem:$0x3FB7]  }
0x2f: {  	lr =	sadd.s32 s0, s3;
	s0 =	sld [smem:$0x3FAE]  }
0x30: {  	s3 =	sld [smem:$0x3FB1]  }
0x31: {  	[smem:$0x3FBA] =	sst s10  }
0x32: {  	s10 =	sld [smem:$0x3FB8];
	_ =	sdelay $0x3  }
0x33: {  	p0 =	seq.s32 s10, $0x1;
	s10 =	sld [smem:$0x3FBA];
	_ =	sdelay $0x3  }
0x34: {  	[smem:$0x3FBA] =	sst s10  }
0x35: {  	s10 =	sld [smem:$0x3FB9];
	_ =	sdelay $0x3  }
0x36: {  	p1 =	seq.s32 s10, $0x1;
	s10 =	sld [smem:$0x3FBA];
	_ =	sdelay $0x3  }
0x37: {  	[smem:$0x3FBA] =	sst s10  }
0x38: {  	s10 =	sld [smem:$0x3FBB]  }
0x39: {  	_ = 	snop;
	(pc) =	sbr.ind lr, $3  }
0x3a: {  	_ = 	snop  }
0x3b: {  	_ = 	snop  }
0x3c: {  	p2 =	seq.s32 s10, $0x1;
	s10 =	sld [smem:$0x3FBA]  }
0x3d: {  	_ =	shalt  }
0x3e: {  	_ =	shalt  }
0x3f: {  	_ =	shalt  }
0x40: {  	_ =	shalt  }
0x41: {  	_ =	shalt  }
0x42: {  	_ =	shalt  }
0x43: {  	_ =	shalt  }
0x44: {  	_ =	shalt  }
0x45: {  	_ =	shalt  }
0x46: {  	_ =	shalt  }
0x47: {  	_ =	shalt  }
0x48: {  	_ =	shalt  }
0x49: {  	_ =	shalt  }
0x4a: {  	_ =	shalt  }
0x4b: {  	_ =	shalt  }
0x4c: {  	_ =	shalt  }
0x4d: {  	_ =	shalt  }
0x4e: {  	_ =	shalt  }
0x4f: {  	_ =	shalt  }
0x50: {  	_ =	shalt  }
0x51: {  	_ =	shalt  }
0x52: {  	_ =	shalt  }
0x53: {  	_ =	shalt  }
0x54: {  	_ =	shalt  }
0x55: {  	_ =	shalt  }
0x56: {  	_ =	shalt  }
0x57: {  	_ =	shalt  }
0x58: {  	_ =	shalt  }
0x59: {  	_ =	shalt  }
0x5a: {  	_ =	shalt  }
0x5b: {  	_ =	shalt  }
0x5c: {  	_ =	shalt  }
0x5d: {  	_ =	shalt  }
0x5e: {  	_ =	shalt  }
0x5f: {  	_ =	shalt  }
0x60: {  	_ =	shalt  }
0x61: {  	_ =	shalt  }
0x62: {  	_ =	shalt  }
0x63: {  	_ =	shalt  }
0x64: {  	_ =	shalt  }
0x65: {  	_ =	shalt  }
0x66: {  	_ =	shalt  }
0x67: {  	_ =	shalt  }
0x68: {  	_ =	shalt  }
0x69: {  	_ =	shalt  }
0x6a: {  	_ =	shalt  }
0x6b: {  	_ =	shalt  }
0x6c: {  	_ =	shalt  }
0x6d: {  	_ =	shalt  }
0x6e: {  	_ =	shalt  }
0x6f: {  	_ =	shalt  }
0x70: {  	_ =	shalt  }
0x71: {  	_ =	shalt  }
0x72: {  	_ =	shalt  }
0x73: {  	_ =	shalt  }
0x74: {  	_ =	shalt  }
0x75: {  	_ =	shalt  }
0x76: {  	_ =	shalt  }
0x77: {  	_ =	shalt  }
0x78: {  	_ =	shalt  }
0x79: {  	_ =	shalt  }
0x7a: {  	_ =	shalt  }
0x7b: {  	_ =	shalt  }
0x7c: {  	_ =	shalt  }
0x7d: {  	_ =	shalt  }
0x7e: {  	_ =	shalt  }
0x7f: {  	_ =	shalt  }
0x80: {  	_ =	shalt  }
0x81: {  	_ =	shalt  }
0x82: {  	_ =	shalt  }
0x83: {  	_ =	shalt  }
0x84: {  	_ =	shalt  }
0x85: {  	_ =	shalt  }
0x86: {  	_ =	shalt  }
0x87: {  	_ =	shalt  }
.Lfunc_end0:
.L_simem_size_0:
called_computation_lowered:
.L_overlay_start_0:
0x88: {  	s2 =	sld [smem:$0x3FD9]  }
0x89: {  	s3 =	sld [smem:$0x3FFE];
	_ =	sdelay $0x1  }
0x8a: {  	s1 =	srdreg.scid  }
0x8b: {  	s0 =	sand.u32 $0x1, s1  }
0x8c: {  	s17 =	sshll.u32 s0, $0xA;
	s2 =	sadd.s32 s3, s2  }
0x8d: {  	s2 =	sadd.s32 s2, s17  }
0x8e: {  	[smem:$0x3FC6] =	sst s2  }
0x8f: {  	_ = 	snop  }
0x90: {  	s2 =	sld [smem:$0x3FD0];
	(tm) =	ssettm $0x1  }
0x91: {  	s18 =	sld [smem:$0x3FFB];
	_ =	sdelay $0x3  }
0x92: {  	_ =	strace s18  }
0x93: {  	s3 =	sld [smem:$0x3FFC];
	_ =	sdelay $0x3  }
0x94: {  	_ =	strace s3  }
0x95: {  	s3 =	sld [smem:$0x3FFD];
	_ =	sdelay $0x3  }
0x96: {  	_ =	strace s3  }
0x97: {  	_ =	strace $0x8FFFFFFF  }
0x98: {  	s19 =	sld [smem:$0x3FDB];
	_ =	sdelay $0x1  }
0x99: {  	s4 =	simm.s32 $_scs_section_size  }
0x9a: {  	s5 =	simm.s32 $_size__tile_overlayer_lowered;
	s6 =	simm.s32 $_tile_overlayer_lowered  }
0x9b: {  	s22 =	simm.s32 $0x1BFF;
	s21 =	sshll.u32 s6, $0x1;
	s3 =	sadd.s32 s4, s19  }
0x9c: {  	s7 =	simm.s32 $0x0;
	s20 =	sshll.u32 s5, $0x1;
	s5 =	sadd.s32 s21, s3  }
0x9d: {  	[timem:s7], [sflag:s22] =	dma.local [hbm:s5], s20  }
0x9e: {  	_ =	swait.ge [sflag:s22], s20  }
0x9f: {  	s4 =	ssub.s32 $0x0, s20;
	[sflag:s22] =	ssyncset.done $0x0  }
0xa0: {  	[sflag:s22] =	ssyncadd.s32 s4;
	_ =	sdelay $0x1  }
0xa1: {  	s23 =	simm.s32 $0x1B8B  }
0xa2: {  	_ =	swait.ge [sflag:s23], $0x1  }
0xa3: {  	[sflag:s23] =	ssyncset.done $0x0  }
0xa4: {  	s25 =	simm.s32 $0x1B8E;
	s24 =	sld [smem:$0x3FFE];
	[sflag:s23] =	ssyncadd.s32 $0xFFFFFFFF  }
0xa5: {  	s26 =	simm.s32 $execute0_lowered;
	[smem:$0x3FD2] =	sst s25  }
0xa6: {  	s5 =	sshll.u32 s26, $0x1;
	_ =	strace $0x80000046;
	[dreg:$0x1] =	wrdreg $0xFFFFFFFF  }
0xa7: {  	s28 =	simm.s32 $_size_execute0_lowered;
	s3 =	sadd.s32 s3, s5;
	[dreg:$0x0] =	wrdreg $0x0  }
0xa8: {  	s5 =	sshll.u32 s28, $0x1;
	[dreg:$0x2] =	wrdreg s3  }
0xa9: {  	[dreg:$0x3] =	wrdreg s5  }
0xaa: {  	[dreg:$0x4] =	wrdreg $0xC0  }
0xab: {  	_ =	task [dreg:s7], $0x5FFFF  }
0xac: {  	[dreg:$0x1] =	wrdreg $0xFFFFFFFF  }
0xad: {  	[dreg:$0x0] =	wrdreg $0x60  }
0xae: {  	[dreg:$0x2] =	wrdreg s24  }
0xaf: {  	[dreg:$0x3] =	wrdreg s2  }
0xb0: {  	[dreg:$0x4] =	wrdreg $0x9  }
0xb1: {  	_ =	task.clear_ibuf [dreg:s7], $0x5FFFF;
	_ =	strace $0x90000046  }
0xb2: {  	s29 =	simm.s32 $0x9;
	_ =	strace $0x80000048  }
0xb3: {  	_ =	swait.ge [sflag:s29], $0x1  }
0xb4: {  	[sflag:s29] =	ssyncadd.s32 $0xFFFFFFFF  }
0xb5: {  	_ =	strace $0x90000048  }
0xb6: {  	_ =	sfence  }
0xb7: {  	s30 =	sld [smem:$0x0];
	_ =	sdelay $0x2  }
0xb8: {  	s31 =	sshll.u32 s1, $0xD;
	s1 =	sshrl.u32 s1, $0x2  }
0xb9: {  	s3 =	sand.u32 $0x4000, s31;
	s1 =	sadd.s32 s1, s30  }
0xba: {  	s0 =	sor.u32 s3, s0;
	s1 =	sshll.u32 s1, $0x11  }
0xbb: {  	s0 =	sor.u32 s1, s0  }
0xbc: {  	s0 =	sadd.s32 $0x8F2B, s0  }
0xbd: {  	[sflag:s0] =	ssyncadd.remote.s32 $0x1  }
0xbe: {  	_ =	sfence.sel $0xFFFF  }
0xbf: {  	[dreg:$0x0] =	wrdreg $0xFFFFFFFF;
	(pc) =	sbr.abs _section_cstart, $3  }
0xc0: {  	[dreg:$0x1] =	wrdreg $0xFFFFFFFF  }
0xc1: {  	_ =	task.clear_ibuf [dreg:s7], $0x2FFFF;
	_ =	strace $0x9FFFFFFF  }
0xc2: {  	(tm) =	ssettm $0x7FFFFFFF  }
0xc3: {  	_ =	shalt  }
tec
execute0_lowered:
.L_overlay_start_1:
0x0: {  	(tag) =	ssettag $0x1  }
0x1: {  	s0 =	rddreg [dreg:$0x0]  }
0x2: {  	s2 =	rddreg [dreg:$0x1];
	s1 =	srdreg.scid;
	s3 =	simm.s32 $0x0  }
0x3: {  	s4 =	stileid.u32;
	s14 =	simm.s32 $0x1;
	s15 =	simm.s32 $0x32  }
0x4: {  	s18 =	simm.s32 $0x100;
	s19 =	simm.s32 $0x180;
	s20 =	simm.s32 $0x3  }
0x5: {  	s21 =	simm.s32 $0x2;
	s22 =	simm.s32 $0x3600;
	s23 =	simm.s32 $0x4F00  }
0x6: {  	s28 =	simm.s32 $0xA200;
	s29 =	simm.s32 $0xBE00;
	s30 =	simm.s32 $0x5  }
0x7: {  	s31 =	simm.s32 $0x6;
	s1 =	sand.u32 $0x1, s1;
	[smem:$0x7FF] =	sst s3  }
0x8: {  	s4 =	sshll.u32 s4, $0xA;
	s7 =	sadd.s32 $0x800, s0;
	s5 =	sshll.u32 s1, $0x9  }
0x9: {  	_ =	strace $0x80000047;
	s1 =	ssub.s32 $0x2, s1;
	s4 =	sor.u32 s5, s4  }
0xa: {  	s5 =	sadd.s32 $0xF42C00, s0;
	s24 =	sshrl.u32 s1, $0x1;
	s6 =	sshll.u32 s4, $0x4  }
0xb: {  	s0 =	ssub.s32 s1, s24;
	s24 =	simm.s32 $0x6A00;
	s8 =	sadd.s32 s2, s6  }
0xc: {  	s12 =	smax.u32 s0, $0x1;
	s0 =	simm.s32 $0x0;
	s25 =	sadd.s32 $0x10, s8  }
0xd: {  	s26 =	sadd.s32 $0x20, s8;
	s11 =	sadd.s32 $0x30, s8;
	[dreg:$0x3] =	wrdreg s25  }
0xe: {  	[dreg:$0x4] =	wrdreg s26;
	s25 =	simm.s32 $0x8600;
	s26 =	simm.s32 $0x4  }
.LBB2_1:
0xf: {  	[tilespmem:s3], [sflag:$0x1] =	stream.linear.gather [hbm4b:s8+s3], $0x80, $0x38;
	[tilespmem:$0xDA00] =	vst v63  }
0x10: {  	s1 =	rddreg [dreg:$0x3];
	s9 =	simm.s32 $0x80  }
0x11: {  	[tilespmem:s9], [sflag:$0x1] =	stream.linear.gather [hbm4b:s1+s3], $0x80, $0x38;
	[tilespmem:$0xDA00] =	vst v63  }
0x12: {  	_ =	swait.ge [sflag:s14], $0x80  }
0x13: {  	[sflag:s14] =	ssyncset.done $0x0  }
0x14: {  	[sflag:s14] =	ssyncadd.s32 $0xFFFFFF80  }
0x15: {  	_ =	swait.ge [sflag:s14], $0x80  }
0x16: {  	[sflag:s14] =	ssyncset.done $0x0  }
0x17: {  	s13 =	simm.s32 $0x200;
	[sflag:s14] =	ssyncadd.s32 $0xFFFFFF80  }
0x18: {  	[tilespmem:s13], [sflag:$0x3] =	stream.indirect.gather [hbm4b:s5+s15], $0x80, s3, s15, $0xb8;
	[tilespmem:$0xDA00] =	vst v63  }
0x19: {  	s16 =	simm.s32 $0x1B00  }
0x1a: {  	[tilespmem:s16], [sflag:$0x3] =	stream.indirect.gather [hbm4b:s5+s15], $0x80, s9, s15, $0xb8;
	[tilespmem:$0xDA00] =	vst v63  }
0x1b: {  	s17 =	rddreg [dreg:$0x4]  }
0x1c: {  	[tilespmem:s18], [sflag:$0x2] =	stream.linear.gather [hbm4b:s17+s3], $0x80, $0x38;
	[tilespmem:$0xDA00] =	vst v63  }
0x1d: {  	s1 =	simm.s32 $0x0  }
0x1e: {  	[tilespmem:s19], [sflag:$0x2] =	stream.linear.gather [hbm4b:s11+s3], $0x80, $0x38;
	[tilespmem:$0xDA00] =	vst v63  }
.LBB2_2:
0x1f: {  	_ =	swait.ge [sflag:s20], $0x1900  }
0x20: {  	s17 =	sshll.u32 s1, $0x6;
	p0 =	seq.s32 s1, $0x7F;
	[sflag:s20] =	ssyncset.done $0x0  }
0x21: {  	s9 =	sadd.s32 @!p0 $0x40, s17;
	[sflag:s20] =	ssyncadd.s32 $0xFFFFE700  }
0x22: {  	s13 =	sadd.s32 @!p0 s6, s9;
	s9 =	sand.u32 @!p0 $0x40, s9;
	_ =	swait.ge [sflag:s20], $0x1900  }
0x23: {  	s13 =	sand.u32 @!p0 $0x7FF80, s13;
	s9 =	sadd.s32 @!p0 s2, s9;
	[sflag:s20] =	ssyncset.done $0x0  }
0x24: {  	s9 =	sadd.s32 @!p0 s13, s9;
	s13 =	simm.s32 @!p0 $0x0;
	[sflag:s20] =	ssyncadd.s32 $0xFFFFE700  }
0x25: {  	[tilespmem:s13], [sflag:$0x1] =	stream.linear.gather @!p0 [hbm4b:s9+s13], $0x80, $0x38;
	[tilespmem:$0xDA00] =	vst v63  }
0x26: {  	s16 =	simm.s32 @!p0 $0x80;
	s9 =	sadd.s32 @!p0 $0x10, s9  }
0x27: {  	[tilespmem:s16], [sflag:$0x1] =	stream.linear.gather @!p0 [hbm4b:s9+s13], $0x80, $0x38;
	[tilespmem:$0xDA00] =	vst v63  }
0x28: {  	_ =	swait.ge [sflag:s21], $0x80  }
0x29: {  	[sflag:s21] =	ssyncset.done $0x0  }
0x2a: {  	[sflag:s21] =	ssyncadd.s32 $0xFFFFFF80  }
0x2b: {  	_ =	swait.ge [sflag:s21], $0x80  }
0x2c: {  	[sflag:s21] =	ssyncset.done $0x0  }
0x2d: {  	p1 =	seq.s32 s1, $0x0;
	[sflag:s21] =	ssyncadd.s32 $0xFFFFFF80  }
0x2e: {  	[tilespmem:s22], [sflag:$0x4] =	stream.indirect.gather [hbm4b:s5+s15], $0x80, s18, s15, $0xb8;
	[tilespmem:$0xDA00] =	vst v63  }
0x2f: {  	s9 =	simm.s32 @!p1 $0x5  }
0x30: {  	[tilespmem:s23], [sflag:$0x4] =	stream.indirect.gather [hbm4b:s5+s15], $0x80, s19, s15, $0xb8;
	[tilespmem:$0xDA00] =	vst v63  }
0x31: {  	_ =	swait.ge @!p1 [sflag:s9], $0x3200  }
0x32: {  	[sflag:s9] =	ssyncset.done @!p1 $0x0  }
0x33: {  	s13 =	simm.s32 $0x0;
	[sflag:s9] =	ssyncadd.s32 @!p1 $0xFFFFCE00  }
0x34: {  	v0 =	vld [tilespmem:s13+$0x230]  }
0x35: {  	v1 =	vld [tilespmem:s13+$0x200]  }
0x36: {  	v2 =	vld [tilespmem:s13+$0x210]  }
0x37: {  	s16 =	simm.s32 $0x0;
	s9 =	simm.s32 $0x200;
	v3 =	vld [tilespmem:s13+$0x220]  }
.LBB2_3:
0x38: {  	p1 =	sne.s32 s9, $0x6200  }
.Ltmp0:
0x39: {  	s10 =	sshra.s32 s9, $0x2;
	s9 =	sadd.s32 $0x200, s9;
	[tilespmem:s16+$0x6A30] =	vst v0;
	(pc) =	sbr.rel @p1 .LBB2_3-.Ltmp0, $4  }
0x3a: {  	v0 =	vld [tilespmem:s10+$0x230];
	[tilespmem:s16+$0x6A00] =	vst v1  }
0x3b: {  	v1 =	vld [tilespmem:s10+$0x200];
	[tilespmem:s16+$0x6A10] =	vst v2  }
0x3c: {  	v2 =	vld [tilespmem:s10+$0x210];
	[tilespmem:s16+$0x6A20] =	vst v3;
	s16 =	smov.u32 s10  }
0x3d: {  	v3 =	vld [tilespmem:s16+$0x220]  }
0x3e: {  	_ = 	snop  }
0x3f: {  	[tilespmem:s16+$0x6A30] =	vst v0  }
0x40: {  	[tilespmem:s16+$0x6A00] =	vst v1  }
0x41: {  	[tilespmem:s16+$0x6A10] =	vst v2  }
0x42: {  	[tilespmem:s16+$0x6A20] =	vst v3  }
0x43: {  	v2 =	vld [tilespmem:s13+$0x1B30]  }
0x44: {  	v1 =	vld [tilespmem:s13+$0x1B00]  }
0x45: {  	v0 =	vld [tilespmem:s13+$0x1B10]  }
0x46: {  	s9 =	simm.s32 $0x200;
	v3 =	vld [tilespmem:s13+$0x1B20]  }
.LBB2_5:
0x47: {  	p1 =	sne.s32 s9, $0x6200  }
.Ltmp1:
0x48: {  	s10 =	sshra.s32 s9, $0x2;
	s9 =	sadd.s32 $0x200, s9;
	[tilespmem:s13+$0x8630] =	vst v2;
	(pc) =	sbr.rel @p1 .LBB2_5-.Ltmp1, $4  }
0x49: {  	v2 =	vld [tilespmem:s10+$0x1B30];
	[tilespmem:s13+$0x8600] =	vst v1  }
0x4a: {  	v1 =	vld [tilespmem:s10+$0x1B00];
	[tilespmem:s13+$0x8610] =	vst v0  }
0x4b: {  	v0 =	vld [tilespmem:s10+$0x1B10];
	[tilespmem:s13+$0x8620] =	vst v3;
	s13 =	smov.u32 s10  }
0x4c: {  	v3 =	vld [tilespmem:s13+$0x1B20]  }
0x4d: {  	s16 =	sshll.u32 s1, $0x2  }
0x4e: {  	[tilespmem:s13+$0x8630] =	vst v2;
	s9 =	sadd.s32 s4, s16  }
0x4f: {  	[tilespmem:s13+$0x8600] =	vst v1;
	s9 =	smul.u32 $0x380, s9  }
0x50: {  	[tilespmem:s13+$0x8610] =	vst v0  }
0x51: {  	[tilespmem:s13+$0x8620] =	vst v3;
	s9 =	sadd.s32 s7, s9  }
0x52: {  	[hbm4b:s9+s3] =	stream.linear.scatter [tilespmem:s24], [sflag:$0x5], $0x1900, $0x38;
	[tilespmem:$0xDA00] =	vst v63  }
0x53: {  	s9 =	sadd.s32 $0x380, s9  }
0x54: {  	[hbm4b:s9+s3] =	stream.linear.scatter [tilespmem:s25], [sflag:$0x5], $0x1900, $0x38;
	[tilespmem:$0xDA00] =	vst v63  }
0x55: {  	_ =	swait.ge [sflag:s26], $0x1900  }
0x56: {  	[sflag:s26] =	ssyncset.done $0x0  }
0x57: {  	s13 =	simm.s32 @!p0 $0x100;
	s9 =	sadd.s32 @!p0 $0x60, s17;
	[sflag:s26] =	ssyncadd.s32 $0xFFFFE700  }
0x58: {  	s10 =	sadd.s32 @!p0 s6, s9;
	s9 =	sand.u32 @!p0 $0x60, s9;
	_ =	swait.ge [sflag:s26], $0x1900  }
0x59: {  	s10 =	sand.u32 @!p0 $0x7FF80, s10;
	s9 =	sadd.s32 @!p0 s2, s9;
	[sflag:s26] =	ssyncset.done $0x0  }
0x5a: {  	s9 =	sadd.s32 @!p0 s10, s9;
	s10 =	simm.s32 @!p0 $0x0;
	[sflag:s26] =	ssyncadd.s32 $0xFFFFE700  }
0x5b: {  	[tilespmem:s13], [sflag:$0x2] =	stream.linear.gather @!p0 [hbm4b:s9+s10], $0x80, $0x38;
	[tilespmem:$0xDA00] =	vst v63  }
0x5c: {  	s9 =	sadd.s32 @!p0 $0x10, s9;
	s13 =	simm.s32 @!p0 $0x180  }
0x5d: {  	[tilespmem:s13], [sflag:$0x2] =	stream.linear.gather @!p0 [hbm4b:s9+s10], $0x80, $0x38;
	[tilespmem:$0xDA00] =	vst v63  }
0x5e: {  	s9 =	simm.s32 @!p0 $0x1  }
0x5f: {  	_ =	swait.ge @!p0 [sflag:s9], $0x80  }
0x60: {  	[sflag:s9] =	ssyncset.done @!p0 $0x0  }
0x61: {  	[sflag:s9] =	ssyncadd.s32 @!p0 $0xFFFFFF80  }
0x62: {  	_ =	swait.ge @!p0 [sflag:s9], $0x80  }
0x63: {  	[sflag:s9] =	ssyncset.done @!p0 $0x0  }
0x64: {  	s13 =	simm.s32 @!p0 $0x200;
	[sflag:s9] =	ssyncadd.s32 @!p0 $0xFFFFFF80;
	s9 =	simm.s32 @!p0 $0x32  }
0x65: {  	[tilespmem:s13], [sflag:$0x3] =	stream.indirect.gather @!p0 [hbm4b:s5+s9], $0x80, s10, s9, $0xb8;
	[tilespmem:$0xDA00] =	vst v63  }
0x66: {  	p1 =	seq.s32 @!p0 s1, $0x0;
	s10 =	simm.s32 @!p0 $0x80;
	s13 =	simm.s32 @!p0 $0x1B00  }
0x67: {  	[tilespmem:s13], [sflag:$0x3] =	stream.indirect.gather @!p0 [hbm4b:s5+s9], $0x80, s10, s9, $0xb8;
	[tilespmem:$0xDA00] =	vst v63  }
0x68: {  	p0 =	por p0, !p1  }
0x69: {  	_ =	swait.ge @p0 [sflag:s31], $0x3200  }
0x6a: {  	[sflag:s31] =	ssyncset.done @p0 $0x0  }
0x6b: {  	s13 =	simm.s32 $0x0;
	[sflag:s31] =	ssyncadd.s32 @p0 $0xFFFFCE00  }
0x6c: {  	v0 =	vld [tilespmem:s13+$0x3630]  }
0x6d: {  	v1 =	vld [tilespmem:s13+$0x3600]  }
0x6e: {  	v2 =	vld [tilespmem:s13+$0x3610]  }
0x6f: {  	s17 =	simm.s32 $0x0;
	s9 =	simm.s32 $0x200;
	v3 =	vld [tilespmem:s13+$0x3620]  }
.LBB2_7:
0x70: {  	p0 =	sne.s32 s9, $0x6200  }
.Ltmp2:
0x71: {  	s10 =	sshra.s32 s9, $0x2;
	s9 =	sadd.s32 $0x200, s9;
	[tilespmem:s17+$0xA230] =	vst v0;
	(pc) =	sbr.rel @p0 .LBB2_7-.Ltmp2, $4  }
0x72: {  	v0 =	vld [tilespmem:s10+$0x3630];
	[tilespmem:s17+$0xA200] =	vst v1  }
0x73: {  	v1 =	vld [tilespmem:s10+$0x3600];
	[tilespmem:s17+$0xA210] =	vst v2  }
0x74: {  	v2 =	vld [tilespmem:s10+$0x3610];
	[tilespmem:s17+$0xA220] =	vst v3;
	s17 =	smov.u32 s10  }
0x75: {  	v3 =	vld [tilespmem:s17+$0x3620]  }
0x76: {  	_ = 	snop  }
0x77: {  	[tilespmem:s17+$0xA230] =	vst v0  }
0x78: {  	[tilespmem:s17+$0xA200] =	vst v1  }
0x79: {  	[tilespmem:s17+$0xA210] =	vst v2  }
0x7a: {  	[tilespmem:s17+$0xA220] =	vst v3  }
0x7b: {  	v2 =	vld [tilespmem:s13+$0x4F30]  }
0x7c: {  	v0 =	vld [tilespmem:s13+$0x4F00]  }
0x7d: {  	v1 =	vld [tilespmem:s13+$0x4F10]  }
0x7e: {  	s9 =	simm.s32 $0x200;
	v3 =	vld [tilespmem:s13+$0x4F20]  }
.LBB2_9:
0x7f: {  	p0 =	sne.s32 s9, $0x6200  }
.Ltmp3:
0x80: {  	s10 =	sshra.s32 s9, $0x2;
	s9 =	sadd.s32 $0x200, s9;
	[tilespmem:s13+$0xBE30] =	vst v2;
	(pc) =	sbr.rel @p0 .LBB2_9-.Ltmp3, $4  }
0x81: {  	v2 =	vld [tilespmem:s10+$0x4F30];
	[tilespmem:s13+$0xBE00] =	vst v0  }
0x82: {  	v0 =	vld [tilespmem:s10+$0x4F00];
	[tilespmem:s13+$0xBE10] =	vst v1  }
0x83: {  	v1 =	vld [tilespmem:s10+$0x4F10];
	[tilespmem:s13+$0xBE20] =	vst v3;
	s13 =	smov.u32 s10  }
0x84: {  	v3 =	vld [tilespmem:s13+$0x4F20]  }
0x85: {  	s9 =	sadd.s32 s16, s4  }
0x86: {  	s1 =	sadd.s32 $0x1, s1;
	[tilespmem:s13+$0xBE30] =	vst v2;
	s9 =	smul.u32 $0x380, s9  }
0x87: {  	p0 =	sne.s32 s1, $0x80;
	[tilespmem:s13+$0xBE00] =	vst v0  }
.Ltmp4:
0x88: {  	[tilespmem:s13+$0xBE10] =	vst v1;
	s9 =	sadd.s32 s7, s9;
	(pc) =	sbr.rel @p0 .LBB2_2-.Ltmp4, $4  }
0x89: {  	[tilespmem:s13+$0xBE20] =	vst v3;
	s10 =	sadd.s32 $0x700, s9  }
0x8a: {  	[hbm4b:s10+s3] =	stream.linear.scatter [tilespmem:s28], [sflag:$0x6], $0x1900, $0x38;
	[tilespmem:$0xDA00] =	vst v63  }
0x8b: {  	s9 =	sadd.s32 $0xA80, s9  }
0x8c: {  	[hbm4b:s9+s3] =	stream.linear.scatter [tilespmem:s29], [sflag:$0x6], $0x1900, $0x38;
	[tilespmem:$0xDA00] =	vst v63  }
0x8d: {  	s0 =	sadd.s32 $0x1, s0  }
0x8e: {  	_ =	swait.ge [sflag:s30], $0x3200;
	p0 =	sne.s32 s0, s12  }
.Ltmp5:
0x8f: {  	[sflag:s30] =	ssyncset.done $0x0;
	(pc) =	sbr.rel @p0 .LBB2_1-.Ltmp5, $4  }
0x90: {  	[sflag:s30] =	ssyncadd.s32 $0xFFFFCE00  }
0x91: {  	_ =	swait.ge [sflag:s31], $0x3200  }
0x92: {  	[sflag:s31] =	ssyncset.done $0x0  }
0x93: {  	[sflag:s31] =	ssyncadd.s32 $0xFFFFCE00  }
0x94: {  	_ =	sfence.sel $0x180000  }
0x95: {  	[bflag:$0x0] =	sbarrier.arrive $0xFFFF  }
0x96: {  	_ =	strace $0x90000047  }
0x97: {  	s0 =	stileid.u32;
	[bflag:$0x2] =	sbarrier.arrive $0xFFFF  }
0x98: {  	p0 =	sne.s32 s0, $0x0;
	s0 =	rddreg [dreg:$0x2]  }
0x99: {  	s0 =	sadd.s32 @!p0 $0x100000, s0  }
0x9a: {  	[sflag:s0] =	ssyncadd.tile.s32 @!p0 $0x1;
	_ =	shalt  }
.Lfunc_end2:
_tile_overlayer_lowered:
.L_overlay_start_2:
0x9b: {  	(tag) =	ssettag $0x2  }
0x9c: {  	s0 =	rddreg [dreg:$0x0];
	s2 =	stileid.u32  }
0x9d: {  	s1 =	rddreg [dreg:$0x1];
	p0 =	sne.s32 s2, $0x0  }
0x9e: {  	s3 =	rddreg [dreg:$0x2];
	[bflag:$0x3] =	sbarrier.arrive $0xFFFF;
	s2 =	simm.s32 @!p0 $0x1C07  }
0x9f: {  	[timem:s3], [sflag:s2] =	dma.local @!p0 [hbm:s0], s1  }
0xa0: {  	s0 =	simm.s32 @!p0 $0x7  }
0xa1: {  	_ =	swait.ge @!p0 [sflag:s0], s1  }
0xa2: {  	s1 =	ssub.s32 @!p0 $0x0, s1;
	[sflag:s0] =	ssyncset.done @!p0 $0x0  }
0xa3: {  	[sflag:s0] =	ssyncadd.s32 @!p0 s1  }
0xa4: {  	[bflag:$0x3] =	sbarrier.arrive $0xFFFF  }
0xa5: {  	_ =	shalt  }

</sc_bundles>
